<compile_context>
chip_gen: v7x
topology: tpu7x:2x2x1
jax: 0.10.2.dev20260603
libtpu: 0.0.44.dev20260713+nightly
codegen_flags: <defaults>
</compile_context>

<pallas_src>
import functools

import jax
import jax.numpy as jnp
from jax import lax
from jax.experimental import pallas as pl
from jax.experimental.pallas import tpu as pltpu
from jax.experimental.pallas import tpu_sc as plsc

_EMBEDDING_DIM = 128
_BATCH = 16384
_ROWS = 1000

_info = plsc.get_sparse_core_info()
_NC, _NS = _info.num_cores, _info.num_subcores
_NW = _NC * _NS
_B_PER_W = _BATCH // _NW
_CHUNK = 32
_NCHUNK = _B_PER_W // _CHUNK
_STAGE_BIG, _N_BIG = 64, 13
_STAGE_SMALL = 56


@jax.jit
def _gather(table, idx):
  mesh = plsc.VectorSubcoreMesh(core_axis_name="c", subcore_axis_name="s")

  @functools.partial(
      pl.kernel,
      mesh=mesh,
      out_type=jax.ShapeDtypeStruct((_BATCH, _EMBEDDING_DIM), jnp.float32),
      scratch_types=[
          pltpu.VMEM_SHARED((_ROWS, _EMBEDDING_DIM), jnp.float32),
          pltpu.VMEM((_B_PER_W,), jnp.int32),
          pltpu.VMEM((_NCHUNK, _CHUNK, _EMBEDDING_DIM), jnp.float32),
          pltpu.SemaphoreType.DMA,
          pltpu.SemaphoreType.DMA,
          pltpu.SemaphoreType.DMA,
      ],
  )
  def k(table_hbm, idx_hbm, out_hbm, table_sh, idx_v, rows_v, gsem, ssem, tsem):
    sid = lax.axis_index("s")
    wid = sid * _NC + lax.axis_index("c")
    out_base = wid * _B_PER_W
    idx_cp = pltpu.async_copy(idx_hbm.at[pl.ds(out_base, _B_PER_W)], idx_v, gsem)

    @pl.when(sid < _N_BIG)
    def _stage_big():
      pltpu.async_copy(
          table_hbm.at[pl.ds(sid * _STAGE_BIG, _STAGE_BIG)],
          table_sh.at[pl.ds(sid * _STAGE_BIG, _STAGE_BIG)],
          tsem,
      ).wait()

    @pl.when(sid >= _N_BIG)
    def _stage_small():
      base = _N_BIG * _STAGE_BIG + (sid - _N_BIG) * _STAGE_SMALL
      pltpu.async_copy(
          table_hbm.at[pl.ds(base, _STAGE_SMALL)],
          table_sh.at[pl.ds(base, _STAGE_SMALL)],
          tsem,
      ).wait()

    idx_cp.wait()
    plsc.subcore_barrier()
    gathers = [
        pltpu.async_copy(
            table_sh.at[idx_v.at[pl.ds(c * _CHUNK, _CHUNK)]], rows_v.at[c], gsem
        )
        for c in range(_NCHUNK)
    ]
    stores = []
    for c in range(_NCHUNK):
      gathers[c].wait()
      stores.append(
          pltpu.async_copy(
              rows_v.at[c],
              out_hbm.at[pl.ds(out_base + c * _CHUNK, _CHUNK)],
              ssem,
          )
      )
    for st in stores:
      st.wait()

  return k(table, idx)


def kernel(t, pos_encoding):
  table = pos_encoding.reshape(pos_encoding.shape[0], _EMBEDDING_DIM)
  out = _gather(table, t.astype(jnp.int32))
  return out.reshape(_BATCH, 1, _EMBEDDING_DIM)

# --- scband reference (transcript-rebuilt; emitter-appended) ---
"""Pipeline reference for scband-positional-encoding-62646392979833 (READ-ONLY COPY).

The authoritative reference and input builder live on the scoring server;
editing this copy changes nothing except your own understanding.
"""

import jax, jax.numpy as jnp
import numpy as np
import math

EMBEDDING_DIM = 128
MAX_LEN = 1000
BATCH = 16384


def _build_pos_encoding():
    pe = np.zeros((MAX_LEN, 1, EMBEDDING_DIM), dtype=np.float32)
    position = np.arange(0, MAX_LEN, dtype=np.float32)[:, None]
    div_term = np.exp(-math.log(10000.0) * np.arange(0, EMBEDDING_DIM, 2, dtype=np.float32) / EMBEDDING_DIM)
    pe[:, 0, 0::2] = np.sin(position * div_term)
    pe[:, 0, 1::2] = np.cos(position * div_term)
    return jnp.asarray(pe)


def setup_inputs(seed: int = 0) -> dict:
    key = jax.random.key(seed)
    t = jax.random.randint(key, (BATCH,), 0, MAX_LEN, dtype=jnp.int64 if jax.config.jax_enable_x64 else jnp.int32)
    pos_encoding = _build_pos_encoding()
    return {"t": t, "pos_encoding": pos_encoding}


def reference(t, pos_encoding):
    # Gather precomputed positional encodings at timesteps t.
    # Dropout is identity in eval/inference mode.
    out = jnp.take(pos_encoding, t, axis=0)  # [BATCH, 1, EMBEDDING_DIM]
    return out

if __name__ == "__main__":
    import jax
    _d = setup_inputs()
    print(jax.jit(kernel)(*tuple(_d.values())))

</pallas_src>

<mosaic_0001>
#map = affine_map<(d0, d1) -> (0, 0)>
#map1 = affine_map<(d0, d1) -> (0)>
module attributes {stable_mosaic.version = 14 : i64} {
  func.func @k(%arg0: i32, %arg1: i32, %arg2: memref<1000x128xf32, #tpu.memory_space<hbm>>, %arg3: memref<16384xi32, #tpu.memory_space<hbm>>, %arg4: memref<16384x128xf32, #tpu.memory_space<hbm>>, %arg5: memref<1000x128xf32, #tpu.memory_space<vmem_shared>>, %arg6: memref<512xi32, #tpu.memory_space<vmem>>, %arg7: memref<16x32x128xf32, #tpu.memory_space<vmem>>, %arg8: memref<!tpu.dma_semaphore, #tpu.memory_space<semaphore_mem>>, %arg9: memref<!tpu.dma_semaphore, #tpu.memory_space<semaphore_mem>>, %arg10: memref<!tpu.dma_semaphore, #tpu.memory_space<semaphore_mem>>) attributes {dimension_semantics = [#tpu.dimension_semantics<core_parallel>, #tpu.dimension_semantics<subcore_parallel>], iteration_bounds = array<i64: 2, 16>, scalar_prefetch = 0 : i64, scratch_operands = 6 : i64, tpu.core_type = #tpu.core_type<sc_vector_subcore>, window_params = [{transform_indices = #map}, {transform_indices = #map1}, {transform_indices = #map}]} {
    %mul3A = arith.constant 2 : i32
    %mul3A_0 = arith.muli %arg1, %mul3A : i32
    %add3A = arith.addi %mul3A_0, %arg0 : i32
    %mul3A_1 = arith.constant 512 : i32
    %mul3A_2 = arith.muli %add3A, %mul3A_1 : i32
    %dma_start3A = tpu.memref_slice %arg3[%mul3A_2] : memref<16384xi32, #tpu.memory_space<hbm>> -> memref<512xi32, #tpu.memory_space<hbm>>
    %dma_start3A_3 = tpu.memref_slice %arg3[%mul3A_2] : memref<16384xi32, #tpu.memory_space<hbm>> -> memref<512xi32, #tpu.memory_space<hbm>>
    tpu.enqueue_dma source(%dma_start3A_3 : memref<512xi32, #tpu.memory_space<hbm>>) target(%arg6 : memref<512xi32, #tpu.memory_space<vmem>>) target_semaphore(%arg8 : memref<!tpu.dma_semaphore, #tpu.memory_space<semaphore_mem>>)
    %lt3A = arith.constant 13 : i32
    %lt3A_4 = arith.cmpi slt, %arg1, %lt3A : i32
    %convert_element_type3A = arith.extui %lt3A_4 : i1 to i32
    %cond3A = arith.constant 0 : i32
    %cond3A_5 = arith.cmpi ne, %convert_element_type3A, %cond3A : i32
    scf.if %cond3A_5 {
      %mul3A_779 = arith.constant 64 : i32
      %mul3A_780 = arith.muli %arg1, %mul3A_779 : i32
      %mul3A_781 = arith.constant 64 : i32
      %mul3A_782 = arith.muli %arg1, %mul3A_781 : i32
      %dma_start3A_783 = arith.constant 0 : i32
      %dma_start3A_784 = tpu.memref_slice %arg5[%mul3A_782, %dma_start3A_783] : memref<1000x128xf32, #tpu.memory_space<vmem_shared>> -> memref<64x128xf32, #tpu.memory_space<vmem_shared>>
      %dma_start3A_785 = arith.constant 0 : i32
      %dma_start3A_786 = tpu.memref_slice %arg2[%mul3A_780, %dma_start3A_785] : memref<1000x128xf32, #tpu.memory_space<hbm>> -> memref<64x128xf32, #tpu.memory_space<hbm>>
      tpu.enqueue_dma source(%dma_start3A_786 : memref<64x128xf32, #tpu.memory_space<hbm>>) target(%dma_start3A_784 : memref<64x128xf32, #tpu.memory_space<vmem_shared>>) target_semaphore(%arg10 : memref<!tpu.dma_semaphore, #tpu.memory_space<semaphore_mem>>)
      %dma_wait3A_787 = arith.constant 0 : i32
      %dma_wait3A_788 = tpu.memref_slice %arg5[%mul3A_782, %dma_wait3A_787] : memref<1000x128xf32, #tpu.memory_space<vmem_shared>> -> memref<64x128xf32, #tpu.memory_space<vmem_shared>>
      %dma_wait3A_789 = arith.constant 0 : i32
      %dma_wait3A_790 = tpu.memref_slice %arg2[%mul3A_780, %dma_wait3A_789] : memref<1000x128xf32, #tpu.memory_space<hbm>> -> memref<64x128xf32, #tpu.memory_space<hbm>>
      tpu.wait_dma2 semaphore(%arg10 : memref<!tpu.dma_semaphore, #tpu.memory_space<semaphore_mem>>) src(%dma_wait3A_790 : memref<64x128xf32, #tpu.memory_space<hbm>>) dst(%dma_wait3A_788 : memref<64x128xf32, #tpu.memory_space<vmem_shared>>)
    } else {
    }
    %ge3A = arith.constant 13 : i32
    %ge3A_6 = arith.cmpi sge, %arg1, %ge3A : i32
    %convert_element_type3A_7 = arith.extui %ge3A_6 : i1 to i32
    %cond3A_8 = arith.constant 0 : i32
    %cond3A_9 = arith.cmpi ne, %convert_element_type3A_7, %cond3A_8 : i32
    scf.if %cond3A_9 {
      %sub3A = arith.constant 13 : i32
      %sub3A_779 = arith.subi %arg1, %sub3A : i32
      %mul3A_780 = arith.constant 56 : i32
      %mul3A_781 = arith.muli %sub3A_779, %mul3A_780 : i32
      %add3A_782 = arith.constant 832 : i32
      %add3A_783 = arith.addi %add3A_782, %mul3A_781 : i32
      %dma_start3A_784 = arith.constant 0 : i32
      %dma_start3A_785 = tpu.memref_slice %arg5[%add3A_783, %dma_start3A_784] : memref<1000x128xf32, #tpu.memory_space<vmem_shared>> -> memref<56x128xf32, #tpu.memory_space<vmem_shared>>
      %dma_start3A_786 = arith.constant 0 : i32
      %dma_start3A_787 = tpu.memref_slice %arg2[%add3A_783, %dma_start3A_786] : memref<1000x128xf32, #tpu.memory_space<hbm>> -> memref<56x128xf32, #tpu.memory_space<hbm>>
      tpu.enqueue_dma source(%dma_start3A_787 : memref<56x128xf32, #tpu.memory_space<hbm>>) target(%dma_start3A_785 : memref<56x128xf32, #tpu.memory_space<vmem_shared>>) target_semaphore(%arg10 : memref<!tpu.dma_semaphore, #tpu.memory_space<semaphore_mem>>)
      %dma_wait3A_788 = arith.constant 0 : i32
      %dma_wait3A_789 = tpu.memref_slice %arg5[%add3A_783, %dma_wait3A_788] : memref<1000x128xf32, #tpu.memory_space<vmem_shared>> -> memref<56x128xf32, #tpu.memory_space<vmem_shared>>
      %dma_wait3A_790 = arith.constant 0 : i32
      %dma_wait3A_791 = tpu.memref_slice %arg2[%add3A_783, %dma_wait3A_790] : memref<1000x128xf32, #tpu.memory_space<hbm>> -> memref<56x128xf32, #tpu.memory_space<hbm>>
      tpu.wait_dma2 semaphore(%arg10 : memref<!tpu.dma_semaphore, #tpu.memory_space<semaphore_mem>>) src(%dma_wait3A_791 : memref<56x128xf32, #tpu.memory_space<hbm>>) dst(%dma_wait3A_789 : memref<56x128xf32, #tpu.memory_space<vmem_shared>>)
    } else {
    }
    %dma_wait3A = tpu.memref_slice %arg3[%mul3A_2] : memref<16384xi32, #tpu.memory_space<hbm>> -> memref<512xi32, #tpu.memory_space<hbm>>
    %dma_wait3A_10 = tpu.memref_slice %arg3[%mul3A_2] : memref<16384xi32, #tpu.memory_space<hbm>> -> memref<512xi32, #tpu.memory_space<hbm>>
    tpu.wait_dma2 semaphore(%arg8 : memref<!tpu.dma_semaphore, #tpu.memory_space<semaphore_mem>>) src(%dma_wait3A_10 : memref<512xi32, #tpu.memory_space<hbm>>) dst(%arg6 : memref<512xi32, #tpu.memory_space<vmem>>)
    %barrier3A = arith.constant 0 : index
    tpu.barrier barrier_id(%barrier3A)
    %dma_start3A_11 = arith.constant 0 : i32
    %dma_start3A_12 = arith.constant 0 : i32
    %dma_start3A_13 = arith.constant 0 : i32
    %dma_start3A_14 = tpu.memref_slice %arg7[%dma_start3A_11, %dma_start3A_12, %dma_start3A_13] : memref<16x32x128xf32, #tpu.memory_space<vmem>> -> memref<1x32x128xf32, #tpu.memory_space<vmem>>
    %dma_start3A_15 = tpu.memref_squeeze %dma_start3A_14 : memref<1x32x128xf32, #tpu.memory_space<vmem>> -> memref<32x128xf32, #tpu.memory_space<vmem>>
    %dma_start3A_16 = arith.constant 0 : i32
    %dma_start3A_17 = tpu.memref_slice %arg6[%dma_start3A_16] : memref<512xi32, #tpu.memory_space<vmem>> -> memref<32xi32, #tpu.memory_space<vmem>>
    %dma_start3A_18 = arith.constant 0 : i32
    %dma_start3A_19 = arith.constant 0 : i32
    %dma_start3A_20 = tpu.memref_slice %arg5[%dma_start3A_18, %dma_start3A_19] : memref<1000x128xf32, #tpu.memory_space<vmem_shared>> -> memref<1000x128xf32, #tpu.memory_space<vmem_shared>>
    tpu.enqueue_indirect_dma source(%dma_start3A_20 : memref<1000x128xf32, #tpu.memory_space<vmem_shared>>) target(%dma_start3A_15 : memref<32x128xf32, #tpu.memory_space<vmem>>) offsets(%dma_start3A_17 : memref<32xi32, #tpu.memory_space<vmem>>) semaphore(%arg8 : memref<!tpu.dma_semaphore, #tpu.memory_space<semaphore_mem>>)
    %dma_start3A_21 = arith.constant 1 : i32
    %dma_start3A_22 = arith.constant 0 : i32
    %dma_start3A_23 = arith.constant 0 : i32
    %dma_start3A_24 = tpu.memref_slice %arg7[%dma_start3A_21, %dma_start3A_22, %dma_start3A_23] : memref<16x32x128xf32, #tpu.memory_space<vmem>> -> memref<1x32x128xf32, #tpu.memory_space<vmem>>
    %dma_start3A_25 = tpu.memref_squeeze %dma_start3A_24 : memref<1x32x128xf32, #tpu.memory_space<vmem>> -> memref<32x128xf32, #tpu.memory_space<vmem>>
    %dma_start3A_26 = arith.constant 32 : i32
    %dma_start3A_27 = tpu.memref_slice %arg6[%dma_start3A_26] : memref<512xi32, #tpu.memory_space<vmem>> -> memref<32xi32, #tpu.memory_space<vmem>>
    %dma_start3A_28 = arith.constant 0 : i32
    %dma_start3A_29 = arith.constant 0 : i32
    %dma_start3A_30 = tpu.memref_slice %arg5[%dma_start3A_28, %dma_start3A_29] : memref<1000x128xf32, #tpu.memory_space<vmem_shared>> -> memref<1000x128xf32, #tpu.memory_space<vmem_shared>>
    tpu.enqueue_indirect_dma source(%dma_start3A_30 : memref<1000x128xf32, #tpu.memory_space<vmem_shared>>) target(%dma_start3A_25 : memref<32x128xf32, #tpu.memory_space<vmem>>) offsets(%dma_start3A_27 : memref<32xi32, #tpu.memory_space<vmem>>) semaphore(%arg8 : memref<!tpu.dma_semaphore, #tpu.memory_space<semaphore_mem>>)
    %dma_start3A_31 = arith.constant 2 : i32
    %dma_start3A_32 = arith.constant 0 : i32
    %dma_start3A_33 = arith.constant 0 : i32
    %dma_start3A_34 = tpu.memref_slice %arg7[%dma_start3A_31, %dma_start3A_32, %dma_start3A_33] : memref<16x32x128xf32, #tpu.memory_space<vmem>> -> memref<1x32x128xf32, #tpu.memory_space<vmem>>
    %dma_start3A_35 = tpu.memref_squeeze %dma_start3A_34 : memref<1x32x128xf32, #tpu.memory_space<vmem>> -> memref<32x128xf32, #tpu.memory_space<vmem>>
    %dma_start3A_36 = arith.constant 64 : i32
    %dma_start3A_37 = tpu.memref_slice %arg6[%dma_start3A_36] : memref<512xi32, #tpu.memory_space<vmem>> -> memref<32xi32, #tpu.memory_space<vmem>>
    %dma_start3A_38 = arith.constant 0 : i32
    %dma_start3A_39 = arith.constant 0 : i32
    %dma_start3A_40 = tpu.memref_slice %arg5[%dma_start3A_38, %dma_start3A_39] : memref<1000x128xf32, #tpu.memory_space<vmem_shared>> -> memref<1000x128xf32, #tpu.memory_space<vmem_shared>>
    tpu.enqueue_indirect_dma source(%dma_start3A_40 : memref<1000x128xf32, #tpu.memory_space<vmem_shared>>) target(%dma_start3A_35 : memref<32x128xf32, #tpu.memory_space<vmem>>) offsets(%dma_start3A_37 : memref<32xi32, #tpu.memory_space<vmem>>) semaphore(%arg8 : memref<!tpu.dma_semaphore, #tpu.memory_space<semaphore_mem>>)
    %dma_start3A_41 = arith.constant 3 : i32
    %dma_start3A_42 = arith.constant 0 : i32
    %dma_start3A_43 = arith.constant 0 : i32
    %dma_start3A_44 = tpu.memref_slice %arg7[%dma_start3A_41, %dma_start3A_42, %dma_start3A_43] : memref<16x32x128xf32, #tpu.memory_space<vmem>> -> memref<1x32x128xf32, #tpu.memory_space<vmem>>
    %dma_start3A_45 = tpu.memref_squeeze %dma_start3A_44 : memref<1x32x128xf32, #tpu.memory_space<vmem>> -> memref<32x128xf32, #tpu.memory_space<vmem>>
    %dma_start3A_46 = arith.constant 96 : i32
    %dma_start3A_47 = tpu.memref_slice %arg6[%dma_start3A_46] : memref<512xi32, #tpu.memory_space<vmem>> -> memref<32xi32, #tpu.memory_space<vmem>>
    %dma_start3A_48 = arith.constant 0 : i32
    %dma_start3A_49 = arith.constant 0 : i32
    %dma_start3A_50 = tpu.memref_slice %arg5[%dma_start3A_48, %dma_start3A_49] : memref<1000x128xf32, #tpu.memory_space<vmem_shared>> -> memref<1000x128xf32, #tpu.memory_space<vmem_shared>>
    tpu.enqueue_indirect_dma source(%dma_start3A_50 : memref<1000x128xf32, #tpu.memory_space<vmem_shared>>) target(%dma_start3A_45 : memref<32x128xf32, #tpu.memory_space<vmem>>) offsets(%dma_start3A_47 : memref<32xi32, #tpu.memory_space<vmem>>) semaphore(%arg8 : memref<!tpu.dma_semaphore, #tpu.memory_space<semaphore_mem>>)
    %dma_start3A_51 = arith.constant 4 : i32
    %dma_start3A_52 = arith.constant 0 : i32
    %dma_start3A_53 = arith.constant 0 : i32
    %dma_start3A_54 = tpu.memref_slice %arg7[%dma_start3A_51, %dma_start3A_52, %dma_start3A_53] : memref<16x32x128xf32, #tpu.memory_space<vmem>> -> memref<1x32x128xf32, #tpu.memory_space<vmem>>
    %dma_start3A_55 = tpu.memref_squeeze %dma_start3A_54 : memref<1x32x128xf32, #tpu.memory_space<vmem>> -> memref<32x128xf32, #tpu.memory_space<vmem>>
    %dma_start3A_56 = arith.constant 128 : i32
    %dma_start3A_57 = tpu.memref_slice %arg6[%dma_start3A_56] : memref<512xi32, #tpu.memory_space<vmem>> -> memref<32xi32, #tpu.memory_space<vmem>>
    %dma_start3A_58 = arith.constant 0 : i32
    %dma_start3A_59 = arith.constant 0 : i32
    %dma_start3A_60 = tpu.memref_slice %arg5[%dma_start3A_58, %dma_start3A_59] : memref<1000x128xf32, #tpu.memory_space<vmem_shared>> -> memref<1000x128xf32, #tpu.memory_space<vmem_shared>>
    tpu.enqueue_indirect_dma source(%dma_start3A_60 : memref<1000x128xf32, #tpu.memory_space<vmem_shared>>) target(%dma_start3A_55 : memref<32x128xf32, #tpu.memory_space<vmem>>) offsets(%dma_start3A_57 : memref<32xi32, #tpu.memory_space<vmem>>) semaphore(%arg8 : memref<!tpu.dma_semaphore, #tpu.memory_space<semaphore_mem>>)
    %dma_start3A_61 = arith.constant 5 : i32
    %dma_start3A_62 = arith.constant 0 : i32
    %dma_start3A_63 = arith.constant 0 : i32
    %dma_start3A_64 = tpu.memref_slice %arg7[%dma_start3A_61, %dma_start3A_62, %dma_start3A_63] : memref<16x32x128xf32, #tpu.memory_space<vmem>> -> memref<1x32x128xf32, #tpu.memory_space<vmem>>
    %dma_start3A_65 = tpu.memref_squeeze %dma_start3A_64 : memref<1x32x128xf32, #tpu.memory_space<vmem>> -> memref<32x128xf32, #tpu.memory_space<vmem>>
    %dma_start3A_66 = arith.constant 160 : i32
    %dma_start3A_67 = tpu.memref_slice %arg6[%dma_start3A_66] : memref<512xi32, #tpu.memory_space<vmem>> -> memref<32xi32, #tpu.memory_space<vmem>>
    %dma_start3A_68 = arith.constant 0 : i32
    %dma_start3A_69 = arith.constant 0 : i32
    %dma_start3A_70 = tpu.memref_slice %arg5[%dma_start3A_68, %dma_start3A_69] : memref<1000x128xf32, #tpu.memory_space<vmem_shared>> -> memref<1000x128xf32, #tpu.memory_space<vmem_shared>>
    tpu.enqueue_indirect_dma source(%dma_start3A_70 : memref<1000x128xf32, #tpu.memory_space<vmem_shared>>) target(%dma_start3A_65 : memref<32x128xf32, #tpu.memory_space<vmem>>) offsets(%dma_start3A_67 : memref<32xi32, #tpu.memory_space<vmem>>) semaphore(%arg8 : memref<!tpu.dma_semaphore, #tpu.memory_space<semaphore_mem>>)
    %dma_start3A_71 = arith.constant 6 : i32
    %dma_start3A_72 = arith.constant 0 : i32
    %dma_start3A_73 = arith.constant 0 : i32
    %dma_start3A_74 = tpu.memref_slice %arg7[%dma_start3A_71, %dma_start3A_72, %dma_start3A_73] : memref<16x32x128xf32, #tpu.memory_space<vmem>> -> memref<1x32x128xf32, #tpu.memory_space<vmem>>
    %dma_start3A_75 = tpu.memref_squeeze %dma_start3A_74 : memref<1x32x128xf32, #tpu.memory_space<vmem>> -> memref<32x128xf32, #tpu.memory_space<vmem>>
    %dma_start3A_76 = arith.constant 192 : i32
    %dma_start3A_77 = tpu.memref_slice %arg6[%dma_start3A_76] : memref<512xi32, #tpu.memory_space<vmem>> -> memref<32xi32, #tpu.memory_space<vmem>>
    %dma_start3A_78 = arith.constant 0 : i32
    %dma_start3A_79 = arith.constant 0 : i32
    %dma_start3A_80 = tpu.memref_slice %arg5[%dma_start3A_78, %dma_start3A_79] : memref<1000x128xf32, #tpu.memory_space<vmem_shared>> -> memref<1000x128xf32, #tpu.memory_space<vmem_shared>>
    tpu.enqueue_indirect_dma source(%dma_start3A_80 : memref<1000x128xf32, #tpu.memory_space<vmem_shared>>) target(%dma_start3A_75 : memref<32x128xf32, #tpu.memory_space<vmem>>) offsets(%dma_start3A_77 : memref<32xi32, #tpu.memory_space<vmem>>) semaphore(%arg8 : memref<!tpu.dma_semaphore, #tpu.memory_space<semaphore_mem>>)
    %dma_start3A_81 = arith.constant 7 : i32
    %dma_start3A_82 = arith.constant 0 : i32
    %dma_start3A_83 = arith.constant 0 : i32
    %dma_start3A_84 = tpu.memref_slice %arg7[%dma_start3A_81, %dma_start3A_82, %dma_start3A_83] : memref<16x32x128xf32, #tpu.memory_space<vmem>> -> memref<1x32x128xf32, #tpu.memory_space<vmem>>
    %dma_start3A_85 = tpu.memref_squeeze %dma_start3A_84 : memref<1x32x128xf32, #tpu.memory_space<vmem>> -> memref<32x128xf32, #tpu.memory_space<vmem>>
    %dma_start3A_86 = arith.constant 224 : i32
    %dma_start3A_87 = tpu.memref_slice %arg6[%dma_start3A_86] : memref<512xi32, #tpu.memory_space<vmem>> -> memref<32xi32, #tpu.memory_space<vmem>>
    %dma_start3A_88 = arith.constant 0 : i32
    %dma_start3A_89 = arith.constant 0 : i32
    %dma_start3A_90 = tpu.memref_slice %arg5[%dma_start3A_88, %dma_start3A_89] : memref<1000x128xf32, #tpu.memory_space<vmem_shared>> -> memref<1000x128xf32, #tpu.memory_space<vmem_shared>>
    tpu.enqueue_indirect_dma source(%dma_start3A_90 : memref<1000x128xf32, #tpu.memory_space<vmem_shared>>) target(%dma_start3A_85 : memref<32x128xf32, #tpu.memory_space<vmem>>) offsets(%dma_start3A_87 : memref<32xi32, #tpu.memory_space<vmem>>) semaphore(%arg8 : memref<!tpu.dma_semaphore, #tpu.memory_space<semaphore_mem>>)
    %dma_start3A_91 = arith.constant 8 : i32
    %dma_start3A_92 = arith.constant 0 : i32
    %dma_start3A_93 = arith.constant 0 : i32
    %dma_start3A_94 = tpu.memref_slice %arg7[%dma_start3A_91, %dma_start3A_92, %dma_start3A_93] : memref<16x32x128xf32, #tpu.memory_space<vmem>> -> memref<1x32x128xf32, #tpu.memory_space<vmem>>
    %dma_start3A_95 = tpu.memref_squeeze %dma_start3A_94 : memref<1x32x128xf32, #tpu.memory_space<vmem>> -> memref<32x128xf32, #tpu.memory_space<vmem>>
    %dma_start3A_96 = arith.constant 256 : i32
    %dma_start3A_97 = tpu.memref_slice %arg6[%dma_start3A_96] : memref<512xi32, #tpu.memory_space<vmem>> -> memref<32xi32, #tpu.memory_space<vmem>>
    %dma_start3A_98 = arith.constant 0 : i32
    %dma_start3A_99 = arith.constant 0 : i32
    %dma_start3A_100 = tpu.memref_slice %arg5[%dma_start3A_98, %dma_start3A_99] : memref<1000x128xf32, #tpu.memory_space<vmem_shared>> -> memref<1000x128xf32, #tpu.memory_space<vmem_shared>>
    tpu.enqueue_indirect_dma source(%dma_start3A_100 : memref<1000x128xf32, #tpu.memory_space<vmem_shared>>) target(%dma_start3A_95 : memref<32x128xf32, #tpu.memory_space<vmem>>) offsets(%dma_start3A_97 : memref<32xi32, #tpu.memory_space<vmem>>) semaphore(%arg8 : memref<!tpu.dma_semaphore, #tpu.memory_space<semaphore_mem>>)
    %dma_start3A_101 = arith.constant 9 : i32
    %dma_start3A_102 = arith.constant 0 : i32
    %dma_start3A_103 = arith.constant 0 : i32
    %dma_start3A_104 = tpu.memref_slice %arg7[%dma_start3A_101, %dma_start3A_102, %dma_start3A_103] : memref<16x32x128xf32, #tpu.memory_space<vmem>> -> memref<1x32x128xf32, #tpu.memory_space<vmem>>
    %dma_start3A_105 = tpu.memref_squeeze %dma_start3A_104 : memref<1x32x128xf32, #tpu.memory_space<vmem>> -> memref<32x128xf32, #tpu.memory_space<vmem>>
    %dma_start3A_106 = arith.constant 288 : i32
    %dma_start3A_107 = tpu.memref_slice %arg6[%dma_start3A_106] : memref<512xi32, #tpu.memory_space<vmem>> -> memref<32xi32, #tpu.memory_space<vmem>>
    %dma_start3A_108 = arith.constant 0 : i32
    %dma_start3A_109 = arith.constant 0 : i32
    %dma_start3A_110 = tpu.memref_slice %arg5[%dma_start3A_108, %dma_start3A_109] : memref<1000x128xf32, #tpu.memory_space<vmem_shared>> -> memref<1000x128xf32, #tpu.memory_space<vmem_shared>>
    tpu.enqueue_indirect_dma source(%dma_start3A_110 : memref<1000x128xf32, #tpu.memory_space<vmem_shared>>) target(%dma_start3A_105 : memref<32x128xf32, #tpu.memory_space<vmem>>) offsets(%dma_start3A_107 : memref<32xi32, #tpu.memory_space<vmem>>) semaphore(%arg8 : memref<!tpu.dma_semaphore, #tpu.memory_space<semaphore_mem>>)
    %dma_start3A_111 = arith.constant 10 : i32
    %dma_start3A_112 = arith.constant 0 : i32
    %dma_start3A_113 = arith.constant 0 : i32
    %dma_start3A_114 = tpu.memref_slice %arg7[%dma_start3A_111, %dma_start3A_112, %dma_start3A_113] : memref<16x32x128xf32, #tpu.memory_space<vmem>> -> memref<1x32x128xf32, #tpu.memory_space<vmem>>
    %dma_start3A_115 = tpu.memref_squeeze %dma_start3A_114 : memref<1x32x128xf32, #tpu.memory_space<vmem>> -> memref<32x128xf32, #tpu.memory_space<vmem>>
    %dma_start3A_116 = arith.constant 320 : i32
    %dma_start3A_117 = tpu.memref_slice %arg6[%dma_start3A_116] : memref<512xi32, #tpu.memory_space<vmem>> -> memref<32xi32, #tpu.memory_space<vmem>>
    %dma_start3A_118 = arith.constant 0 : i32
    %dma_start3A_119 = arith.constant 0 : i32
    %dma_start3A_120 = tpu.memref_slice %arg5[%dma_start3A_118, %dma_start3A_119] : memref<1000x128xf32, #tpu.memory_space<vmem_shared>> -> memref<1000x128xf32, #tpu.memory_space<vmem_shared>>
    tpu.enqueue_indirect_dma source(%dma_start3A_120 : memref<1000x128xf32, #tpu.memory_space<vmem_shared>>) target(%dma_start3A_115 : memref<32x128xf32, #tpu.memory_space<vmem>>) offsets(%dma_start3A_117 : memref<32xi32, #tpu.memory_space<vmem>>) semaphore(%arg8 : memref<!tpu.dma_semaphore, #tpu.memory_space<semaphore_mem>>)
    %dma_start3A_121 = arith.constant 11 : i32
    %dma_start3A_122 = arith.constant 0 : i32
    %dma_start3A_123 = arith.constant 0 : i32
    %dma_start3A_124 = tpu.memref_slice %arg7[%dma_start3A_121, %dma_start3A_122, %dma_start3A_123] : memref<16x32x128xf32, #tpu.memory_space<vmem>> -> memref<1x32x128xf32, #tpu.memory_space<vmem>>
    %dma_start3A_125 = tpu.memref_squeeze %dma_start3A_124 : memref<1x32x128xf32, #tpu.memory_space<vmem>> -> memref<32x128xf32, #tpu.memory_space<vmem>>
    %dma_start3A_126 = arith.constant 352 : i32
    %dma_start3A_127 = tpu.memref_slice %arg6[%dma_start3A_126] : memref<512xi32, #tpu.memory_space<vmem>> -> memref<32xi32, #tpu.memory_space<vmem>>
    %dma_start3A_128 = arith.constant 0 : i32
    %dma_start3A_129 = arith.constant 0 : i32
    %dma_start3A_130 = tpu.memref_slice %arg5[%dma_start3A_128, %dma_start3A_129] : memref<1000x128xf32, #tpu.memory_space<vmem_shared>> -> memref<1000x128xf32, #tpu.memory_space<vmem_shared>>
    tpu.enqueue_indirect_dma source(%dma_start3A_130 : memref<1000x128xf32, #tpu.memory_space<vmem_shared>>) target(%dma_start3A_125 : memref<32x128xf32, #tpu.memory_space<vmem>>) offsets(%dma_start3A_127 : memref<32xi32, #tpu.memory_space<vmem>>) semaphore(%arg8 : memref<!tpu.dma_semaphore, #tpu.memory_space<semaphore_mem>>)
    %dma_start3A_131 = arith.constant 12 : i32
    %dma_start3A_132 = arith.constant 0 : i32
    %dma_start3A_133 = arith.constant 0 : i32
    %dma_start3A_134 = tpu.memref_slice %arg7[%dma_start3A_131, %dma_start3A_132, %dma_start3A_133] : memref<16x32x128xf32, #tpu.memory_space<vmem>> -> memref<1x32x128xf32, #tpu.memory_space<vmem>>
    %dma_start3A_135 = tpu.memref_squeeze %dma_start3A_134 : memref<1x32x128xf32, #tpu.memory_space<vmem>> -> memref<32x128xf32, #tpu.memory_space<vmem>>
    %dma_start3A_136 = arith.constant 384 : i32
    %dma_start3A_137 = tpu.memref_slice %arg6[%dma_start3A_136] : memref<512xi32, #tpu.memory_space<vmem>> -> memref<32xi32, #tpu.memory_space<vmem>>
    %dma_start3A_138 = arith.constant 0 : i32
    %dma_start3A_139 = arith.constant 0 : i32
    %dma_start3A_140 = tpu.memref_slice %arg5[%dma_start3A_138, %dma_start3A_139] : memref<1000x128xf32, #tpu.memory_space<vmem_shared>> -> memref<1000x128xf32, #tpu.memory_space<vmem_shared>>
    tpu.enqueue_indirect_dma source(%dma_start3A_140 : memref<1000x128xf32, #tpu.memory_space<vmem_shared>>) target(%dma_start3A_135 : memref<32x128xf32, #tpu.memory_space<vmem>>) offsets(%dma_start3A_137 : memref<32xi32, #tpu.memory_space<vmem>>) semaphore(%arg8 : memref<!tpu.dma_semaphore, #tpu.memory_space<semaphore_mem>>)
    %dma_start3A_141 = arith.constant 13 : i32
    %dma_start3A_142 = arith.constant 0 : i32
    %dma_start3A_143 = arith.constant 0 : i32
    %dma_start3A_144 = tpu.memref_slice %arg7[%dma_start3A_141, %dma_start3A_142, %dma_start3A_143] : memref<16x32x128xf32, #tpu.memory_space<vmem>> -> memref<1x32x128xf32, #tpu.memory_space<vmem>>
    %dma_start3A_145 = tpu.memref_squeeze %dma_start3A_144 : memref<1x32x128xf32, #tpu.memory_space<vmem>> -> memref<32x128xf32, #tpu.memory_space<vmem>>
    %dma_start3A_146 = arith.constant 416 : i32
    %dma_start3A_147 = tpu.memref_slice %arg6[%dma_start3A_146] : memref<512xi32, #tpu.memory_space<vmem>> -> memref<32xi32, #tpu.memory_space<vmem>>
    %dma_start3A_148 = arith.constant 0 : i32
    %dma_start3A_149 = arith.constant 0 : i32
    %dma_start3A_150 = tpu.memref_slice %arg5[%dma_start3A_148, %dma_start3A_149] : memref<1000x128xf32, #tpu.memory_space<vmem_shared>> -> memref<1000x128xf32, #tpu.memory_space<vmem_shared>>
    tpu.enqueue_indirect_dma source(%dma_start3A_150 : memref<1000x128xf32, #tpu.memory_space<vmem_shared>>) target(%dma_start3A_145 : memref<32x128xf32, #tpu.memory_space<vmem>>) offsets(%dma_start3A_147 : memref<32xi32, #tpu.memory_space<vmem>>) semaphore(%arg8 : memref<!tpu.dma_semaphore, #tpu.memory_space<semaphore_mem>>)
    %dma_start3A_151 = arith.constant 14 : i32
    %dma_start3A_152 = arith.constant 0 : i32
    %dma_start3A_153 = arith.constant 0 : i32
    %dma_start3A_154 = tpu.memref_slice %arg7[%dma_start3A_151, %dma_start3A_152, %dma_start3A_153] : memref<16x32x128xf32, #tpu.memory_space<vmem>> -> memref<1x32x128xf32, #tpu.memory_space<vmem>>
    %dma_start3A_155 = tpu.memref_squeeze %dma_start3A_154 : memref<1x32x128xf32, #tpu.memory_space<vmem>> -> memref<32x128xf32, #tpu.memory_space<vmem>>
    %dma_start3A_156 = arith.constant 448 : i32
    %dma_start3A_157 = tpu.memref_slice %arg6[%dma_start3A_156] : memref<512xi32, #tpu.memory_space<vmem>> -> memref<32xi32, #tpu.memory_space<vmem>>
    %dma_start3A_158 = arith.constant 0 : i32
    %dma_start3A_159 = arith.constant 0 : i32
    %dma_start3A_160 = tpu.memref_slice %arg5[%dma_start3A_158, %dma_start3A_159] : memref<1000x128xf32, #tpu.memory_space<vmem_shared>> -> memref<1000x128xf32, #tpu.memory_space<vmem_shared>>
    tpu.enqueue_indirect_dma source(%dma_start3A_160 : memref<1000x128xf32, #tpu.memory_space<vmem_shared>>) target(%dma_start3A_155 : memref<32x128xf32, #tpu.memory_space<vmem>>) offsets(%dma_start3A_157 : memref<32xi32, #tpu.memory_space<vmem>>) semaphore(%arg8 : memref<!tpu.dma_semaphore, #tpu.memory_space<semaphore_mem>>)
    %dma_start3A_161 = arith.constant 15 : i32
    %dma_start3A_162 = arith.constant 0 : i32
    %dma_start3A_163 = arith.constant 0 : i32
    %dma_start3A_164 = tpu.memref_slice %arg7[%dma_start3A_161, %dma_start3A_162, %dma_start3A_163] : memref<16x32x128xf32, #tpu.memory_space<vmem>> -> memref<1x32x128xf32, #tpu.memory_space<vmem>>
    %dma_start3A_165 = tpu.memref_squeeze %dma_start3A_164 : memref<1x32x128xf32, #tpu.memory_space<vmem>> -> memref<32x128xf32, #tpu.memory_space<vmem>>
    %dma_start3A_166 = arith.constant 480 : i32
    %dma_start3A_167 = tpu.memref_slice %arg6[%dma_start3A_166] : memref<512xi32, #tpu.memory_space<vmem>> -> memref<32xi32, #tpu.memory_space<vmem>>
    %dma_start3A_168 = arith.constant 0 : i32
    %dma_start3A_169 = arith.constant 0 : i32
    %dma_start3A_170 = tpu.memref_slice %arg5[%dma_start3A_168, %dma_start3A_169] : memref<1000x128xf32, #tpu.memory_space<vmem_shared>> -> memref<1000x128xf32, #tpu.memory_space<vmem_shared>>
    tpu.enqueue_indirect_dma source(%dma_start3A_170 : memref<1000x128xf32, #tpu.memory_space<vmem_shared>>) target(%dma_start3A_165 : memref<32x128xf32, #tpu.memory_space<vmem>>) offsets(%dma_start3A_167 : memref<32xi32, #tpu.memory_space<vmem>>) semaphore(%arg8 : memref<!tpu.dma_semaphore, #tpu.memory_space<semaphore_mem>>)
    %dma_wait3A_171 = arith.constant 0 : i32
    %dma_wait3A_172 = arith.constant 0 : i32
    %dma_wait3A_173 = arith.constant 0 : i32
    %dma_wait3A_174 = tpu.memref_slice %arg7[%dma_wait3A_171, %dma_wait3A_172, %dma_wait3A_173] : memref<16x32x128xf32, #tpu.memory_space<vmem>> -> memref<1x32x128xf32, #tpu.memory_space<vmem>>
    %dma_wait3A_175 = tpu.memref_squeeze %dma_wait3A_174 : memref<1x32x128xf32, #tpu.memory_space<vmem>> -> memref<32x128xf32, #tpu.memory_space<vmem>>
    %dma_wait3A_176 = arith.constant 0 : i32
    %dma_wait3A_177 = tpu.memref_slice %arg6[%dma_wait3A_176] : memref<512xi32, #tpu.memory_space<vmem>> -> memref<32xi32, #tpu.memory_space<vmem>>
    %dma_wait3A_178 = arith.constant 0 : i32
    %dma_wait3A_179 = arith.constant 0 : i32
    %dma_wait3A_180 = tpu.memref_slice %arg5[%dma_wait3A_178, %dma_wait3A_179] : memref<1000x128xf32, #tpu.memory_space<vmem_shared>> -> memref<1000x128xf32, #tpu.memory_space<vmem_shared>>
    tpu.wait_indirect_dma semaphore(%arg8 : memref<!tpu.dma_semaphore, #tpu.memory_space<semaphore_mem>>) src(%dma_wait3A_180 : memref<1000x128xf32, #tpu.memory_space<vmem_shared>>) dst(%dma_wait3A_175 : memref<32x128xf32, #tpu.memory_space<vmem>>)
    %add3A_181 = arith.constant 0 : i32
    %add3A_182 = arith.addi %mul3A_2, %add3A_181 : i32
    %dma_start3A_183 = arith.constant 0 : i32
    %dma_start3A_184 = arith.constant 0 : i32
    %dma_start3A_185 = arith.constant 0 : i32
    %dma_start3A_186 = tpu.memref_slice %arg7[%dma_start3A_183, %dma_start3A_184, %dma_start3A_185] : memref<16x32x128xf32, #tpu.memory_space<vmem>> -> memref<1x32x128xf32, #tpu.memory_space<vmem>>
    %dma_start3A_187 = tpu.memref_squeeze %dma_start3A_186 : memref<1x32x128xf32, #tpu.memory_space<vmem>> -> memref<32x128xf32, #tpu.memory_space<vmem>>
    %dma_start3A_188 = arith.constant 0 : i32
    %dma_start3A_189 = tpu.memref_slice %arg4[%add3A_182, %dma_start3A_188] : memref<16384x128xf32, #tpu.memory_space<hbm>> -> memref<32x128xf32, #tpu.memory_space<hbm>>
    %dma_start3A_190 = arith.constant 0 : i32
    %dma_start3A_191 = tpu.memref_slice %arg4[%add3A_182, %dma_start3A_190] : memref<16384x128xf32, #tpu.memory_space<hbm>> -> memref<32x128xf32, #tpu.memory_space<hbm>>
    %dma_start3A_192 = arith.constant 0 : i32
    %dma_start3A_193 = arith.constant 0 : i32
    %dma_start3A_194 = tpu.memref_slice %arg7[%dma_start3A_183, %dma_start3A_192, %dma_start3A_193] : memref<16x32x128xf32, #tpu.memory_space<vmem>> -> memref<1x32x128xf32, #tpu.memory_space<vmem>>
    %dma_start3A_195 = tpu.memref_squeeze %dma_start3A_194 : memref<1x32x128xf32, #tpu.memory_space<vmem>> -> memref<32x128xf32, #tpu.memory_space<vmem>>
    tpu.enqueue_dma source(%dma_start3A_195 : memref<32x128xf32, #tpu.memory_space<vmem>>) target(%dma_start3A_191 : memref<32x128xf32, #tpu.memory_space<hbm>>) target_semaphore(%arg9 : memref<!tpu.dma_semaphore, #tpu.memory_space<semaphore_mem>>)
    %dma_wait3A_196 = arith.constant 1 : i32
    %dma_wait3A_197 = arith.constant 0 : i32
    %dma_wait3A_198 = arith.constant 0 : i32
    %dma_wait3A_199 = tpu.memref_slice %arg7[%dma_wait3A_196, %dma_wait3A_197, %dma_wait3A_198] : memref<16x32x128xf32, #tpu.memory_space<vmem>> -> memref<1x32x128xf32, #tpu.memory_space<vmem>>
    %dma_wait3A_200 = tpu.memref_squeeze %dma_wait3A_199 : memref<1x32x128xf32, #tpu.memory_space<vmem>> -> memref<32x128xf32, #tpu.memory_space<vmem>>
    %dma_wait3A_201 = arith.constant 32 : i32
    %dma_wait3A_202 = tpu.memref_slice %arg6[%dma_wait3A_201] : memref<512xi32, #tpu.memory_space<vmem>> -> memref<32xi32, #tpu.memory_space<vmem>>
    %dma_wait3A_203 = arith.constant 0 : i32
    %dma_wait3A_204 = arith.constant 0 : i32
    %dma_wait3A_205 = tpu.memref_slice %arg5[%dma_wait3A_203, %dma_wait3A_204] : memref<1000x128xf32, #tpu.memory_space<vmem_shared>> -> memref<1000x128xf32, #tpu.memory_space<vmem_shared>>
    tpu.wait_indirect_dma semaphore(%arg8 : memref<!tpu.dma_semaphore, #tpu.memory_space<semaphore_mem>>) src(%dma_wait3A_205 : memref<1000x128xf32, #tpu.memory_space<vmem_shared>>) dst(%dma_wait3A_200 : memref<32x128xf32, #tpu.memory_space<vmem>>)
    %add3A_206 = arith.constant 32 : i32
    %add3A_207 = arith.addi %mul3A_2, %add3A_206 : i32
    %dma_start3A_208 = arith.constant 1 : i32
    %dma_start3A_209 = arith.constant 0 : i32
    %dma_start3A_210 = arith.constant 0 : i32
    %dma_start3A_211 = tpu.memref_slice %arg7[%dma_start3A_208, %dma_start3A_209, %dma_start3A_210] : memref<16x32x128xf32, #tpu.memory_space<vmem>> -> memref<1x32x128xf32, #tpu.memory_space<vmem>>
    %dma_start3A_212 = tpu.memref_squeeze %dma_start3A_211 : memref<1x32x128xf32, #tpu.memory_space<vmem>> -> memref<32x128xf32, #tpu.memory_space<vmem>>
    %dma_start3A_213 = arith.constant 0 : i32
    %dma_start3A_214 = tpu.memref_slice %arg4[%add3A_207, %dma_start3A_213] : memref<16384x128xf32, #tpu.memory_space<hbm>> -> memref<32x128xf32, #tpu.memory_space<hbm>>
    %dma_start3A_215 = arith.constant 0 : i32
    %dma_start3A_216 = tpu.memref_slice %arg4[%add3A_207, %dma_start3A_215] : memref<16384x128xf32, #tpu.memory_space<hbm>> -> memref<32x128xf32, #tpu.memory_space<hbm>>
    %dma_start3A_217 = arith.constant 0 : i32
    %dma_start3A_218 = arith.constant 0 : i32
    %dma_start3A_219 = tpu.memref_slice %arg7[%dma_start3A_208, %dma_start3A_217, %dma_start3A_218] : memref<16x32x128xf32, #tpu.memory_space<vmem>> -> memref<1x32x128xf32, #tpu.memory_space<vmem>>
    %dma_start3A_220 = tpu.memref_squeeze %dma_start3A_219 : memref<1x32x128xf32, #tpu.memory_space<vmem>> -> memref<32x128xf32, #tpu.memory_space<vmem>>
    tpu.enqueue_dma source(%dma_start3A_220 : memref<32x128xf32, #tpu.memory_space<vmem>>) target(%dma_start3A_216 : memref<32x128xf32, #tpu.memory_space<hbm>>) target_semaphore(%arg9 : memref<!tpu.dma_semaphore, #tpu.memory_space<semaphore_mem>>)
    %dma_wait3A_221 = arith.constant 2 : i32
    %dma_wait3A_222 = arith.constant 0 : i32
    %dma_wait3A_223 = arith.constant 0 : i32
    %dma_wait3A_224 = tpu.memref_slice %arg7[%dma_wait3A_221, %dma_wait3A_222, %dma_wait3A_223] : memref<16x32x128xf32, #tpu.memory_space<vmem>> -> memref<1x32x128xf32, #tpu.memory_space<vmem>>
    %dma_wait3A_225 = tpu.memref_squeeze %dma_wait3A_224 : memref<1x32x128xf32, #tpu.memory_space<vmem>> -> memref<32x128xf32, #tpu.memory_space<vmem>>
    %dma_wait3A_226 = arith.constant 64 : i32
    %dma_wait3A_227 = tpu.memref_slice %arg6[%dma_wait3A_226] : memref<512xi32, #tpu.memory_space<vmem>> -> memref<32xi32, #tpu.memory_space<vmem>>
    %dma_wait3A_228 = arith.constant 0 : i32
    %dma_wait3A_229 = arith.constant 0 : i32
    %dma_wait3A_230 = tpu.memref_slice %arg5[%dma_wait3A_228, %dma_wait3A_229] : memref<1000x128xf32, #tpu.memory_space<vmem_shared>> -> memref<1000x128xf32, #tpu.memory_space<vmem_shared>>
    tpu.wait_indirect_dma semaphore(%arg8 : memref<!tpu.dma_semaphore, #tpu.memory_space<semaphore_mem>>) src(%dma_wait3A_230 : memref<1000x128xf32, #tpu.memory_space<vmem_shared>>) dst(%dma_wait3A_225 : memref<32x128xf32, #tpu.memory_space<vmem>>)
    %add3A_231 = arith.constant 64 : i32
    %add3A_232 = arith.addi %mul3A_2, %add3A_231 : i32
    %dma_start3A_233 = arith.constant 2 : i32
    %dma_start3A_234 = arith.constant 0 : i32
    %dma_start3A_235 = arith.constant 0 : i32
    %dma_start3A_236 = tpu.memref_slice %arg7[%dma_start3A_233, %dma_start3A_234, %dma_start3A_235] : memref<16x32x128xf32, #tpu.memory_space<vmem>> -> memref<1x32x128xf32, #tpu.memory_space<vmem>>
    %dma_start3A_237 = tpu.memref_squeeze %dma_start3A_236 : memref<1x32x128xf32, #tpu.memory_space<vmem>> -> memref<32x128xf32, #tpu.memory_space<vmem>>
    %dma_start3A_238 = arith.constant 0 : i32
    %dma_start3A_239 = tpu.memref_slice %arg4[%add3A_232, %dma_start3A_238] : memref<16384x128xf32, #tpu.memory_space<hbm>> -> memref<32x128xf32, #tpu.memory_space<hbm>>
    %dma_start3A_240 = arith.constant 0 : i32
    %dma_start3A_241 = tpu.memref_slice %arg4[%add3A_232, %dma_start3A_240] : memref<16384x128xf32, #tpu.memory_space<hbm>> -> memref<32x128xf32, #tpu.memory_space<hbm>>
    %dma_start3A_242 = arith.constant 0 : i32
    %dma_start3A_243 = arith.constant 0 : i32
    %dma_start3A_244 = tpu.memref_slice %arg7[%dma_start3A_233, %dma_start3A_242, %dma_start3A_243] : memref<16x32x128xf32, #tpu.memory_space<vmem>> -> memref<1x32x128xf32, #tpu.memory_space<vmem>>
    %dma_start3A_245 = tpu.memref_squeeze %dma_start3A_244 : memref<1x32x128xf32, #tpu.memory_space<vmem>> -> memref<32x128xf32, #tpu.memory_space<vmem>>
    tpu.enqueue_dma source(%dma_start3A_245 : memref<32x128xf32, #tpu.memory_space<vmem>>) target(%dma_start3A_241 : memref<32x128xf32, #tpu.memory_space<hbm>>) target_semaphore(%arg9 : memref<!tpu.dma_semaphore, #tpu.memory_space<semaphore_mem>>)
    %dma_wait3A_246 = arith.constant 3 : i32
    %dma_wait3A_247 = arith.constant 0 : i32
    %dma_wait3A_248 = arith.constant 0 : i32
    %dma_wait3A_249 = tpu.memref_slice %arg7[%dma_wait3A_246, %dma_wait3A_247, %dma_wait3A_248] : memref<16x32x128xf32, #tpu.memory_space<vmem>> -> memref<1x32x128xf32, #tpu.memory_space<vmem>>
    %dma_wait3A_250 = tpu.memref_squeeze %dma_wait3A_249 : memref<1x32x128xf32, #tpu.memory_space<vmem>> -> memref<32x128xf32, #tpu.memory_space<vmem>>
    %dma_wait3A_251 = arith.constant 96 : i32
    %dma_wait3A_252 = tpu.memref_slice %arg6[%dma_wait3A_251] : memref<512xi32, #tpu.memory_space<vmem>> -> memref<32xi32, #tpu.memory_space<vmem>>
    %dma_wait3A_253 = arith.constant 0 : i32
    %dma_wait3A_254 = arith.constant 0 : i32
    %dma_wait3A_255 = tpu.memref_slice %arg5[%dma_wait3A_253, %dma_wait3A_254] : memref<1000x128xf32, #tpu.memory_space<vmem_shared>> -> memref<1000x128xf32, #tpu.memory_space<vmem_shared>>
    tpu.wait_indirect_dma semaphore(%arg8 : memref<!tpu.dma_semaphore, #tpu.memory_space<semaphore_mem>>) src(%dma_wait3A_255 : memref<1000x128xf32, #tpu.memory_space<vmem_shared>>) dst(%dma_wait3A_250 : memref<32x128xf32, #tpu.memory_space<vmem>>)
    %add3A_256 = arith.constant 96 : i32
    %add3A_257 = arith.addi %mul3A_2, %add3A_256 : i32
    %dma_start3A_258 = arith.constant 3 : i32
    %dma_start3A_259 = arith.constant 0 : i32
    %dma_start3A_260 = arith.constant 0 : i32
    %dma_start3A_261 = tpu.memref_slice %arg7[%dma_start3A_258, %dma_start3A_259, %dma_start3A_260] : memref<16x32x128xf32, #tpu.memory_space<vmem>> -> memref<1x32x128xf32, #tpu.memory_space<vmem>>
    %dma_start3A_262 = tpu.memref_squeeze %dma_start3A_261 : memref<1x32x128xf32, #tpu.memory_space<vmem>> -> memref<32x128xf32, #tpu.memory_space<vmem>>
    %dma_start3A_263 = arith.constant 0 : i32
    %dma_start3A_264 = tpu.memref_slice %arg4[%add3A_257, %dma_start3A_263] : memref<16384x128xf32, #tpu.memory_space<hbm>> -> memref<32x128xf32, #tpu.memory_space<hbm>>
    %dma_start3A_265 = arith.constant 0 : i32
    %dma_start3A_266 = tpu.memref_slice %arg4[%add3A_257, %dma_start3A_265] : memref<16384x128xf32, #tpu.memory_space<hbm>> -> memref<32x128xf32, #tpu.memory_space<hbm>>
    %dma_start3A_267 = arith.constant 0 : i32
    %dma_start3A_268 = arith.constant 0 : i32
    %dma_start3A_269 = tpu.memref_slice %arg7[%dma_start3A_258, %dma_start3A_267, %dma_start3A_268] : memref<16x32x128xf32, #tpu.memory_space<vmem>> -> memref<1x32x128xf32, #tpu.memory_space<vmem>>
    %dma_start3A_270 = tpu.memref_squeeze %dma_start3A_269 : memref<1x32x128xf32, #tpu.memory_space<vmem>> -> memref<32x128xf32, #tpu.memory_space<vmem>>
    tpu.enqueue_dma source(%dma_start3A_270 : memref<32x128xf32, #tpu.memory_space<vmem>>) target(%dma_start3A_266 : memref<32x128xf32, #tpu.memory_space<hbm>>) target_semaphore(%arg9 : memref<!tpu.dma_semaphore, #tpu.memory_space<semaphore_mem>>)
    %dma_wait3A_271 = arith.constant 4 : i32
    %dma_wait3A_272 = arith.constant 0 : i32
    %dma_wait3A_273 = arith.constant 0 : i32
    %dma_wait3A_274 = tpu.memref_slice %arg7[%dma_wait3A_271, %dma_wait3A_272, %dma_wait3A_273] : memref<16x32x128xf32, #tpu.memory_space<vmem>> -> memref<1x32x128xf32, #tpu.memory_space<vmem>>
    %dma_wait3A_275 = tpu.memref_squeeze %dma_wait3A_274 : memref<1x32x128xf32, #tpu.memory_space<vmem>> -> memref<32x128xf32, #tpu.memory_space<vmem>>
    %dma_wait3A_276 = arith.constant 128 : i32
    %dma_wait3A_277 = tpu.memref_slice %arg6[%dma_wait3A_276] : memref<512xi32, #tpu.memory_space<vmem>> -> memref<32xi32, #tpu.memory_space<vmem>>
    %dma_wait3A_278 = arith.constant 0 : i32
    %dma_wait3A_279 = arith.constant 0 : i32
    %dma_wait3A_280 = tpu.memref_slice %arg5[%dma_wait3A_278, %dma_wait3A_279] : memref<1000x128xf32, #tpu.memory_space<vmem_shared>> -> memref<1000x128xf32, #tpu.memory_space<vmem_shared>>
    tpu.wait_indirect_dma semaphore(%arg8 : memref<!tpu.dma_semaphore, #tpu.memory_space<semaphore_mem>>) src(%dma_wait3A_280 : memref<1000x128xf32, #tpu.memory_space<vmem_shared>>) dst(%dma_wait3A_275 : memref<32x128xf32, #tpu.memory_space<vmem>>)
    %add3A_281 = arith.constant 128 : i32
    %add3A_282 = arith.addi %mul3A_2, %add3A_281 : i32
    %dma_start3A_283 = arith.constant 4 : i32
    %dma_start3A_284 = arith.constant 0 : i32
    %dma_start3A_285 = arith.constant 0 : i32
    %dma_start3A_286 = tpu.memref_slice %arg7[%dma_start3A_283, %dma_start3A_284, %dma_start3A_285] : memref<16x32x128xf32, #tpu.memory_space<vmem>> -> memref<1x32x128xf32, #tpu.memory_space<vmem>>
    %dma_start3A_287 = tpu.memref_squeeze %dma_start3A_286 : memref<1x32x128xf32, #tpu.memory_space<vmem>> -> memref<32x128xf32, #tpu.memory_space<vmem>>
    %dma_start3A_288 = arith.constant 0 : i32
    %dma_start3A_289 = tpu.memref_slice %arg4[%add3A_282, %dma_start3A_288] : memref<16384x128xf32, #tpu.memory_space<hbm>> -> memref<32x128xf32, #tpu.memory_space<hbm>>
    %dma_start3A_290 = arith.constant 0 : i32
    %dma_start3A_291 = tpu.memref_slice %arg4[%add3A_282, %dma_start3A_290] : memref<16384x128xf32, #tpu.memory_space<hbm>> -> memref<32x128xf32, #tpu.memory_space<hbm>>
    %dma_start3A_292 = arith.constant 0 : i32
    %dma_start3A_293 = arith.constant 0 : i32
    %dma_start3A_294 = tpu.memref_slice %arg7[%dma_start3A_283, %dma_start3A_292, %dma_start3A_293] : memref<16x32x128xf32, #tpu.memory_space<vmem>> -> memref<1x32x128xf32, #tpu.memory_space<vmem>>
    %dma_start3A_295 = tpu.memref_squeeze %dma_start3A_294 : memref<1x32x128xf32, #tpu.memory_space<vmem>> -> memref<32x128xf32, #tpu.memory_space<vmem>>
    tpu.enqueue_dma source(%dma_start3A_295 : memref<32x128xf32, #tpu.memory_space<vmem>>) target(%dma_start3A_291 : memref<32x128xf32, #tpu.memory_space<hbm>>) target_semaphore(%arg9 : memref<!tpu.dma_semaphore, #tpu.memory_space<semaphore_mem>>)
    %dma_wait3A_296 = arith.constant 5 : i32
    %dma_wait3A_297 = arith.constant 0 : i32
    %dma_wait3A_298 = arith.constant 0 : i32
    %dma_wait3A_299 = tpu.memref_slice %arg7[%dma_wait3A_296, %dma_wait3A_297, %dma_wait3A_298] : memref<16x32x128xf32, #tpu.memory_space<vmem>> -> memref<1x32x128xf32, #tpu.memory_space<vmem>>
    %dma_wait3A_300 = tpu.memref_squeeze %dma_wait3A_299 : memref<1x32x128xf32, #tpu.memory_space<vmem>> -> memref<32x128xf32, #tpu.memory_space<vmem>>
    %dma_wait3A_301 = arith.constant 160 : i32
    %dma_wait3A_302 = tpu.memref_slice %arg6[%dma_wait3A_301] : memref<512xi32, #tpu.memory_space<vmem>> -> memref<32xi32, #tpu.memory_space<vmem>>
    %dma_wait3A_303 = arith.constant 0 : i32
    %dma_wait3A_304 = arith.constant 0 : i32
    %dma_wait3A_305 = tpu.memref_slice %arg5[%dma_wait3A_303, %dma_wait3A_304] : memref<1000x128xf32, #tpu.memory_space<vmem_shared>> -> memref<1000x128xf32, #tpu.memory_space<vmem_shared>>
    tpu.wait_indirect_dma semaphore(%arg8 : memref<!tpu.dma_semaphore, #tpu.memory_space<semaphore_mem>>) src(%dma_wait3A_305 : memref<1000x128xf32, #tpu.memory_space<vmem_shared>>) dst(%dma_wait3A_300 : memref<32x128xf32, #tpu.memory_space<vmem>>)
    %add3A_306 = arith.constant 160 : i32
    %add3A_307 = arith.addi %mul3A_2, %add3A_306 : i32
    %dma_start3A_308 = arith.constant 5 : i32
    %dma_start3A_309 = arith.constant 0 : i32
    %dma_start3A_310 = arith.constant 0 : i32
    %dma_start3A_311 = tpu.memref_slice %arg7[%dma_start3A_308, %dma_start3A_309, %dma_start3A_310] : memref<16x32x128xf32, #tpu.memory_space<vmem>> -> memref<1x32x128xf32, #tpu.memory_space<vmem>>
    %dma_start3A_312 = tpu.memref_squeeze %dma_start3A_311 : memref<1x32x128xf32, #tpu.memory_space<vmem>> -> memref<32x128xf32, #tpu.memory_space<vmem>>
    %dma_start3A_313 = arith.constant 0 : i32
    %dma_start3A_314 = tpu.memref_slice %arg4[%add3A_307, %dma_start3A_313] : memref<16384x128xf32, #tpu.memory_space<hbm>> -> memref<32x128xf32, #tpu.memory_space<hbm>>
    %dma_start3A_315 = arith.constant 0 : i32
    %dma_start3A_316 = tpu.memref_slice %arg4[%add3A_307, %dma_start3A_315] : memref<16384x128xf32, #tpu.memory_space<hbm>> -> memref<32x128xf32, #tpu.memory_space<hbm>>
    %dma_start3A_317 = arith.constant 0 : i32
    %dma_start3A_318 = arith.constant 0 : i32
    %dma_start3A_319 = tpu.memref_slice %arg7[%dma_start3A_308, %dma_start3A_317, %dma_start3A_318] : memref<16x32x128xf32, #tpu.memory_space<vmem>> -> memref<1x32x128xf32, #tpu.memory_space<vmem>>
    %dma_start3A_320 = tpu.memref_squeeze %dma_start3A_319 : memref<1x32x128xf32, #tpu.memory_space<vmem>> -> memref<32x128xf32, #tpu.memory_space<vmem>>
    tpu.enqueue_dma source(%dma_start3A_320 : memref<32x128xf32, #tpu.memory_space<vmem>>) target(%dma_start3A_316 : memref<32x128xf32, #tpu.memory_space<hbm>>) target_semaphore(%arg9 : memref<!tpu.dma_semaphore, #tpu.memory_space<semaphore_mem>>)
    %dma_wait3A_321 = arith.constant 6 : i32
    %dma_wait3A_322 = arith.constant 0 : i32
    %dma_wait3A_323 = arith.constant 0 : i32
    %dma_wait3A_324 = tpu.memref_slice %arg7[%dma_wait3A_321, %dma_wait3A_322, %dma_wait3A_323] : memref<16x32x128xf32, #tpu.memory_space<vmem>> -> memref<1x32x128xf32, #tpu.memory_space<vmem>>
    %dma_wait3A_325 = tpu.memref_squeeze %dma_wait3A_324 : memref<1x32x128xf32, #tpu.memory_space<vmem>> -> memref<32x128xf32, #tpu.memory_space<vmem>>
    %dma_wait3A_326 = arith.constant 192 : i32
    %dma_wait3A_327 = tpu.memref_slice %arg6[%dma_wait3A_326] : memref<512xi32, #tpu.memory_space<vmem>> -> memref<32xi32, #tpu.memory_space<vmem>>
    %dma_wait3A_328 = arith.constant 0 : i32
    %dma_wait3A_329 = arith.constant 0 : i32
    %dma_wait3A_330 = tpu.memref_slice %arg5[%dma_wait3A_328, %dma_wait3A_329] : memref<1000x128xf32, #tpu.memory_space<vmem_shared>> -> memref<1000x128xf32, #tpu.memory_space<vmem_shared>>
    tpu.wait_indirect_dma semaphore(%arg8 : memref<!tpu.dma_semaphore, #tpu.memory_space<semaphore_mem>>) src(%dma_wait3A_330 : memref<1000x128xf32, #tpu.memory_space<vmem_shared>>) dst(%dma_wait3A_325 : memref<32x128xf32, #tpu.memory_space<vmem>>)
    %add3A_331 = arith.constant 192 : i32
    %add3A_332 = arith.addi %mul3A_2, %add3A_331 : i32
    %dma_start3A_333 = arith.constant 6 : i32
    %dma_start3A_334 = arith.constant 0 : i32
    %dma_start3A_335 = arith.constant 0 : i32
    %dma_start3A_336 = tpu.memref_slice %arg7[%dma_start3A_333, %dma_start3A_334, %dma_start3A_335] : memref<16x32x128xf32, #tpu.memory_space<vmem>> -> memref<1x32x128xf32, #tpu.memory_space<vmem>>
    %dma_start3A_337 = tpu.memref_squeeze %dma_start3A_336 : memref<1x32x128xf32, #tpu.memory_space<vmem>> -> memref<32x128xf32, #tpu.memory_space<vmem>>
    %dma_start3A_338 = arith.constant 0 : i32
    %dma_start3A_339 = tpu.memref_slice %arg4[%add3A_332, %dma_start3A_338] : memref<16384x128xf32, #tpu.memory_space<hbm>> -> memref<32x128xf32, #tpu.memory_space<hbm>>
    %dma_start3A_340 = arith.constant 0 : i32
    %dma_start3A_341 = tpu.memref_slice %arg4[%add3A_332, %dma_start3A_340] : memref<16384x128xf32, #tpu.memory_space<hbm>> -> memref<32x128xf32, #tpu.memory_space<hbm>>
    %dma_start3A_342 = arith.constant 0 : i32
    %dma_start3A_343 = arith.constant 0 : i32
    %dma_start3A_344 = tpu.memref_slice %arg7[%dma_start3A_333, %dma_start3A_342, %dma_start3A_343] : memref<16x32x128xf32, #tpu.memory_space<vmem>> -> memref<1x32x128xf32, #tpu.memory_space<vmem>>
    %dma_start3A_345 = tpu.memref_squeeze %dma_start3A_344 : memref<1x32x128xf32, #tpu.memory_space<vmem>> -> memref<32x128xf32, #tpu.memory_space<vmem>>
    tpu.enqueue_dma source(%dma_start3A_345 : memref<32x128xf32, #tpu.memory_space<vmem>>) target(%dma_start3A_341 : memref<32x128xf32, #tpu.memory_space<hbm>>) target_semaphore(%arg9 : memref<!tpu.dma_semaphore, #tpu.memory_space<semaphore_mem>>)
    %dma_wait3A_346 = arith.constant 7 : i32
    %dma_wait3A_347 = arith.constant 0 : i32
    %dma_wait3A_348 = arith.constant 0 : i32
    %dma_wait3A_349 = tpu.memref_slice %arg7[%dma_wait3A_346, %dma_wait3A_347, %dma_wait3A_348] : memref<16x32x128xf32, #tpu.memory_space<vmem>> -> memref<1x32x128xf32, #tpu.memory_space<vmem>>
    %dma_wait3A_350 = tpu.memref_squeeze %dma_wait3A_349 : memref<1x32x128xf32, #tpu.memory_space<vmem>> -> memref<32x128xf32, #tpu.memory_space<vmem>>
    %dma_wait3A_351 = arith.constant 224 : i32
    %dma_wait3A_352 = tpu.memref_slice %arg6[%dma_wait3A_351] : memref<512xi32, #tpu.memory_space<vmem>> -> memref<32xi32, #tpu.memory_space<vmem>>
    %dma_wait3A_353 = arith.constant 0 : i32
    %dma_wait3A_354 = arith.constant 0 : i32
    %dma_wait3A_355 = tpu.memref_slice %arg5[%dma_wait3A_353, %dma_wait3A_354] : memref<1000x128xf32, #tpu.memory_space<vmem_shared>> -> memref<1000x128xf32, #tpu.memory_space<vmem_shared>>
    tpu.wait_indirect_dma semaphore(%arg8 : memref<!tpu.dma_semaphore, #tpu.memory_space<semaphore_mem>>) src(%dma_wait3A_355 : memref<1000x128xf32, #tpu.memory_space<vmem_shared>>) dst(%dma_wait3A_350 : memref<32x128xf32, #tpu.memory_space<vmem>>)
    %add3A_356 = arith.constant 224 : i32
    %add3A_357 = arith.addi %mul3A_2, %add3A_356 : i32
    %dma_start3A_358 = arith.constant 7 : i32
    %dma_start3A_359 = arith.constant 0 : i32
    %dma_start3A_360 = arith.constant 0 : i32
    %dma_start3A_361 = tpu.memref_slice %arg7[%dma_start3A_358, %dma_start3A_359, %dma_start3A_360] : memref<16x32x128xf32, #tpu.memory_space<vmem>> -> memref<1x32x128xf32, #tpu.memory_space<vmem>>
    %dma_start3A_362 = tpu.memref_squeeze %dma_start3A_361 : memref<1x32x128xf32, #tpu.memory_space<vmem>> -> memref<32x128xf32, #tpu.memory_space<vmem>>
    %dma_start3A_363 = arith.constant 0 : i32
    %dma_start3A_364 = tpu.memref_slice %arg4[%add3A_357, %dma_start3A_363] : memref<16384x128xf32, #tpu.memory_space<hbm>> -> memref<32x128xf32, #tpu.memory_space<hbm>>
    %dma_start3A_365 = arith.constant 0 : i32
    %dma_start3A_366 = tpu.memref_slice %arg4[%add3A_357, %dma_start3A_365] : memref<16384x128xf32, #tpu.memory_space<hbm>> -> memref<32x128xf32, #tpu.memory_space<hbm>>
    %dma_start3A_367 = arith.constant 0 : i32
    %dma_start3A_368 = arith.constant 0 : i32
    %dma_start3A_369 = tpu.memref_slice %arg7[%dma_start3A_358, %dma_start3A_367, %dma_start3A_368] : memref<16x32x128xf32, #tpu.memory_space<vmem>> -> memref<1x32x128xf32, #tpu.memory_space<vmem>>
    %dma_start3A_370 = tpu.memref_squeeze %dma_start3A_369 : memref<1x32x128xf32, #tpu.memory_space<vmem>> -> memref<32x128xf32, #tpu.memory_space<vmem>>
    tpu.enqueue_dma source(%dma_start3A_370 : memref<32x128xf32, #tpu.memory_space<vmem>>) target(%dma_start3A_366 : memref<32x128xf32, #tpu.memory_space<hbm>>) target_semaphore(%arg9 : memref<!tpu.dma_semaphore, #tpu.memory_space<semaphore_mem>>)
    %dma_wait3A_371 = arith.constant 8 : i32
    %dma_wait3A_372 = arith.constant 0 : i32
    %dma_wait3A_373 = arith.constant 0 : i32
    %dma_wait3A_374 = tpu.memref_slice %arg7[%dma_wait3A_371, %dma_wait3A_372, %dma_wait3A_373] : memref<16x32x128xf32, #tpu.memory_space<vmem>> -> memref<1x32x128xf32, #tpu.memory_space<vmem>>
    %dma_wait3A_375 = tpu.memref_squeeze %dma_wait3A_374 : memref<1x32x128xf32, #tpu.memory_space<vmem>> -> memref<32x128xf32, #tpu.memory_space<vmem>>
    %dma_wait3A_376 = arith.constant 256 : i32
    %dma_wait3A_377 = tpu.memref_slice %arg6[%dma_wait3A_376] : memref<512xi32, #tpu.memory_space<vmem>> -> memref<32xi32, #tpu.memory_space<vmem>>
    %dma_wait3A_378 = arith.constant 0 : i32
    %dma_wait3A_379 = arith.constant 0 : i32
    %dma_wait3A_380 = tpu.memref_slice %arg5[%dma_wait3A_378, %dma_wait3A_379] : memref<1000x128xf32, #tpu.memory_space<vmem_shared>> -> memref<1000x128xf32, #tpu.memory_space<vmem_shared>>
    tpu.wait_indirect_dma semaphore(%arg8 : memref<!tpu.dma_semaphore, #tpu.memory_space<semaphore_mem>>) src(%dma_wait3A_380 : memref<1000x128xf32, #tpu.memory_space<vmem_shared>>) dst(%dma_wait3A_375 : memref<32x128xf32, #tpu.memory_space<vmem>>)
    %add3A_381 = arith.constant 256 : i32
    %add3A_382 = arith.addi %mul3A_2, %add3A_381 : i32
    %dma_start3A_383 = arith.constant 8 : i32
    %dma_start3A_384 = arith.constant 0 : i32
    %dma_start3A_385 = arith.constant 0 : i32
    %dma_start3A_386 = tpu.memref_slice %arg7[%dma_start3A_383, %dma_start3A_384, %dma_start3A_385] : memref<16x32x128xf32, #tpu.memory_space<vmem>> -> memref<1x32x128xf32, #tpu.memory_space<vmem>>
    %dma_start3A_387 = tpu.memref_squeeze %dma_start3A_386 : memref<1x32x128xf32, #tpu.memory_space<vmem>> -> memref<32x128xf32, #tpu.memory_space<vmem>>
    %dma_start3A_388 = arith.constant 0 : i32
    %dma_start3A_389 = tpu.memref_slice %arg4[%add3A_382, %dma_start3A_388] : memref<16384x128xf32, #tpu.memory_space<hbm>> -> memref<32x128xf32, #tpu.memory_space<hbm>>
    %dma_start3A_390 = arith.constant 0 : i32
    %dma_start3A_391 = tpu.memref_slice %arg4[%add3A_382, %dma_start3A_390] : memref<16384x128xf32, #tpu.memory_space<hbm>> -> memref<32x128xf32, #tpu.memory_space<hbm>>
    %dma_start3A_392 = arith.constant 0 : i32
    %dma_start3A_393 = arith.constant 0 : i32
    %dma_start3A_394 = tpu.memref_slice %arg7[%dma_start3A_383, %dma_start3A_392, %dma_start3A_393] : memref<16x32x128xf32, #tpu.memory_space<vmem>> -> memref<1x32x128xf32, #tpu.memory_space<vmem>>
    %dma_start3A_395 = tpu.memref_squeeze %dma_start3A_394 : memref<1x32x128xf32, #tpu.memory_space<vmem>> -> memref<32x128xf32, #tpu.memory_space<vmem>>
    tpu.enqueue_dma source(%dma_start3A_395 : memref<32x128xf32, #tpu.memory_space<vmem>>) target(%dma_start3A_391 : memref<32x128xf32, #tpu.memory_space<hbm>>) target_semaphore(%arg9 : memref<!tpu.dma_semaphore, #tpu.memory_space<semaphore_mem>>)
    %dma_wait3A_396 = arith.constant 9 : i32
    %dma_wait3A_397 = arith.constant 0 : i32
    %dma_wait3A_398 = arith.constant 0 : i32
    %dma_wait3A_399 = tpu.memref_slice %arg7[%dma_wait3A_396, %dma_wait3A_397, %dma_wait3A_398] : memref<16x32x128xf32, #tpu.memory_space<vmem>> -> memref<1x32x128xf32, #tpu.memory_space<vmem>>
    %dma_wait3A_400 = tpu.memref_squeeze %dma_wait3A_399 : memref<1x32x128xf32, #tpu.memory_space<vmem>> -> memref<32x128xf32, #tpu.memory_space<vmem>>
    %dma_wait3A_401 = arith.constant 288 : i32
    %dma_wait3A_402 = tpu.memref_slice %arg6[%dma_wait3A_401] : memref<512xi32, #tpu.memory_space<vmem>> -> memref<32xi32, #tpu.memory_space<vmem>>
    %dma_wait3A_403 = arith.constant 0 : i32
    %dma_wait3A_404 = arith.constant 0 : i32
    %dma_wait3A_405 = tpu.memref_slice %arg5[%dma_wait3A_403, %dma_wait3A_404] : memref<1000x128xf32, #tpu.memory_space<vmem_shared>> -> memref<1000x128xf32, #tpu.memory_space<vmem_shared>>
    tpu.wait_indirect_dma semaphore(%arg8 : memref<!tpu.dma_semaphore, #tpu.memory_space<semaphore_mem>>) src(%dma_wait3A_405 : memref<1000x128xf32, #tpu.memory_space<vmem_shared>>) dst(%dma_wait3A_400 : memref<32x128xf32, #tpu.memory_space<vmem>>)
    %add3A_406 = arith.constant 288 : i32
    %add3A_407 = arith.addi %mul3A_2, %add3A_406 : i32
    %dma_start3A_408 = arith.constant 9 : i32
    %dma_start3A_409 = arith.constant 0 : i32
    %dma_start3A_410 = arith.constant 0 : i32
    %dma_start3A_411 = tpu.memref_slice %arg7[%dma_start3A_408, %dma_start3A_409, %dma_start3A_410] : memref<16x32x128xf32, #tpu.memory_space<vmem>> -> memref<1x32x128xf32, #tpu.memory_space<vmem>>
    %dma_start3A_412 = tpu.memref_squeeze %dma_start3A_411 : memref<1x32x128xf32, #tpu.memory_space<vmem>> -> memref<32x128xf32, #tpu.memory_space<vmem>>
    %dma_start3A_413 = arith.constant 0 : i32
    %dma_start3A_414 = tpu.memref_slice %arg4[%add3A_407, %dma_start3A_413] : memref<16384x128xf32, #tpu.memory_space<hbm>> -> memref<32x128xf32, #tpu.memory_space<hbm>>
    %dma_start3A_415 = arith.constant 0 : i32
    %dma_start3A_416 = tpu.memref_slice %arg4[%add3A_407, %dma_start3A_415] : memref<16384x128xf32, #tpu.memory_space<hbm>> -> memref<32x128xf32, #tpu.memory_space<hbm>>
    %dma_start3A_417 = arith.constant 0 : i32
    %dma_start3A_418 = arith.constant 0 : i32
    %dma_start3A_419 = tpu.memref_slice %arg7[%dma_start3A_408, %dma_start3A_417, %dma_start3A_418] : memref<16x32x128xf32, #tpu.memory_space<vmem>> -> memref<1x32x128xf32, #tpu.memory_space<vmem>>
    %dma_start3A_420 = tpu.memref_squeeze %dma_start3A_419 : memref<1x32x128xf32, #tpu.memory_space<vmem>> -> memref<32x128xf32, #tpu.memory_space<vmem>>
    tpu.enqueue_dma source(%dma_start3A_420 : memref<32x128xf32, #tpu.memory_space<vmem>>) target(%dma_start3A_416 : memref<32x128xf32, #tpu.memory_space<hbm>>) target_semaphore(%arg9 : memref<!tpu.dma_semaphore, #tpu.memory_space<semaphore_mem>>)
    %dma_wait3A_421 = arith.constant 10 : i32
    %dma_wait3A_422 = arith.constant 0 : i32
    %dma_wait3A_423 = arith.constant 0 : i32
    %dma_wait3A_424 = tpu.memref_slice %arg7[%dma_wait3A_421, %dma_wait3A_422, %dma_wait3A_423] : memref<16x32x128xf32, #tpu.memory_space<vmem>> -> memref<1x32x128xf32, #tpu.memory_space<vmem>>
    %dma_wait3A_425 = tpu.memref_squeeze %dma_wait3A_424 : memref<1x32x128xf32, #tpu.memory_space<vmem>> -> memref<32x128xf32, #tpu.memory_space<vmem>>
    %dma_wait3A_426 = arith.constant 320 : i32
    %dma_wait3A_427 = tpu.memref_slice %arg6[%dma_wait3A_426] : memref<512xi32, #tpu.memory_space<vmem>> -> memref<32xi32, #tpu.memory_space<vmem>>
    %dma_wait3A_428 = arith.constant 0 : i32
    %dma_wait3A_429 = arith.constant 0 : i32
    %dma_wait3A_430 = tpu.memref_slice %arg5[%dma_wait3A_428, %dma_wait3A_429] : memref<1000x128xf32, #tpu.memory_space<vmem_shared>> -> memref<1000x128xf32, #tpu.memory_space<vmem_shared>>
    tpu.wait_indirect_dma semaphore(%arg8 : memref<!tpu.dma_semaphore, #tpu.memory_space<semaphore_mem>>) src(%dma_wait3A_430 : memref<1000x128xf32, #tpu.memory_space<vmem_shared>>) dst(%dma_wait3A_425 : memref<32x128xf32, #tpu.memory_space<vmem>>)
    %add3A_431 = arith.constant 320 : i32
    %add3A_432 = arith.addi %mul3A_2, %add3A_431 : i32
    %dma_start3A_433 = arith.constant 10 : i32
    %dma_start3A_434 = arith.constant 0 : i32
    %dma_start3A_435 = arith.constant 0 : i32
    %dma_start3A_436 = tpu.memref_slice %arg7[%dma_start3A_433, %dma_start3A_434, %dma_start3A_435] : memref<16x32x128xf32, #tpu.memory_space<vmem>> -> memref<1x32x128xf32, #tpu.memory_space<vmem>>
    %dma_start3A_437 = tpu.memref_squeeze %dma_start3A_436 : memref<1x32x128xf32, #tpu.memory_space<vmem>> -> memref<32x128xf32, #tpu.memory_space<vmem>>
    %dma_start3A_438 = arith.constant 0 : i32
    %dma_start3A_439 = tpu.memref_slice %arg4[%add3A_432, %dma_start3A_438] : memref<16384x128xf32, #tpu.memory_space<hbm>> -> memref<32x128xf32, #tpu.memory_space<hbm>>
    %dma_start3A_440 = arith.constant 0 : i32
    %dma_start3A_441 = tpu.memref_slice %arg4[%add3A_432, %dma_start3A_440] : memref<16384x128xf32, #tpu.memory_space<hbm>> -> memref<32x128xf32, #tpu.memory_space<hbm>>
    %dma_start3A_442 = arith.constant 0 : i32
    %dma_start3A_443 = arith.constant 0 : i32
    %dma_start3A_444 = tpu.memref_slice %arg7[%dma_start3A_433, %dma_start3A_442, %dma_start3A_443] : memref<16x32x128xf32, #tpu.memory_space<vmem>> -> memref<1x32x128xf32, #tpu.memory_space<vmem>>
    %dma_start3A_445 = tpu.memref_squeeze %dma_start3A_444 : memref<1x32x128xf32, #tpu.memory_space<vmem>> -> memref<32x128xf32, #tpu.memory_space<vmem>>
    tpu.enqueue_dma source(%dma_start3A_445 : memref<32x128xf32, #tpu.memory_space<vmem>>) target(%dma_start3A_441 : memref<32x128xf32, #tpu.memory_space<hbm>>) target_semaphore(%arg9 : memref<!tpu.dma_semaphore, #tpu.memory_space<semaphore_mem>>)
    %dma_wait3A_446 = arith.constant 11 : i32
    %dma_wait3A_447 = arith.constant 0 : i32
    %dma_wait3A_448 = arith.constant 0 : i32
    %dma_wait3A_449 = tpu.memref_slice %arg7[%dma_wait3A_446, %dma_wait3A_447, %dma_wait3A_448] : memref<16x32x128xf32, #tpu.memory_space<vmem>> -> memref<1x32x128xf32, #tpu.memory_space<vmem>>
    %dma_wait3A_450 = tpu.memref_squeeze %dma_wait3A_449 : memref<1x32x128xf32, #tpu.memory_space<vmem>> -> memref<32x128xf32, #tpu.memory_space<vmem>>
    %dma_wait3A_451 = arith.constant 352 : i32
    %dma_wait3A_452 = tpu.memref_slice %arg6[%dma_wait3A_451] : memref<512xi32, #tpu.memory_space<vmem>> -> memref<32xi32, #tpu.memory_space<vmem>>
    %dma_wait3A_453 = arith.constant 0 : i32
    %dma_wait3A_454 = arith.constant 0 : i32
    %dma_wait3A_455 = tpu.memref_slice %arg5[%dma_wait3A_453, %dma_wait3A_454] : memref<1000x128xf32, #tpu.memory_space<vmem_shared>> -> memref<1000x128xf32, #tpu.memory_space<vmem_shared>>
    tpu.wait_indirect_dma semaphore(%arg8 : memref<!tpu.dma_semaphore, #tpu.memory_space<semaphore_mem>>) src(%dma_wait3A_455 : memref<1000x128xf32, #tpu.memory_space<vmem_shared>>) dst(%dma_wait3A_450 : memref<32x128xf32, #tpu.memory_space<vmem>>)
    %add3A_456 = arith.constant 352 : i32
    %add3A_457 = arith.addi %mul3A_2, %add3A_456 : i32
    %dma_start3A_458 = arith.constant 11 : i32
    %dma_start3A_459 = arith.constant 0 : i32
    %dma_start3A_460 = arith.constant 0 : i32
    %dma_start3A_461 = tpu.memref_slice %arg7[%dma_start3A_458, %dma_start3A_459, %dma_start3A_460] : memref<16x32x128xf32, #tpu.memory_space<vmem>> -> memref<1x32x128xf32, #tpu.memory_space<vmem>>
    %dma_start3A_462 = tpu.memref_squeeze %dma_start3A_461 : memref<1x32x128xf32, #tpu.memory_space<vmem>> -> memref<32x128xf32, #tpu.memory_space<vmem>>
    %dma_start3A_463 = arith.constant 0 : i32
    %dma_start3A_464 = tpu.memref_slice %arg4[%add3A_457, %dma_start3A_463] : memref<16384x128xf32, #tpu.memory_space<hbm>> -> memref<32x128xf32, #tpu.memory_space<hbm>>
    %dma_start3A_465 = arith.constant 0 : i32
    %dma_start3A_466 = tpu.memref_slice %arg4[%add3A_457, %dma_start3A_465] : memref<16384x128xf32, #tpu.memory_space<hbm>> -> memref<32x128xf32, #tpu.memory_space<hbm>>
    %dma_start3A_467 = arith.constant 0 : i32
    %dma_start3A_468 = arith.constant 0 : i32
    %dma_start3A_469 = tpu.memref_slice %arg7[%dma_start3A_458, %dma_start3A_467, %dma_start3A_468] : memref<16x32x128xf32, #tpu.memory_space<vmem>> -> memref<1x32x128xf32, #tpu.memory_space<vmem>>
    %dma_start3A_470 = tpu.memref_squeeze %dma_start3A_469 : memref<1x32x128xf32, #tpu.memory_space<vmem>> -> memref<32x128xf32, #tpu.memory_space<vmem>>
    tpu.enqueue_dma source(%dma_start3A_470 : memref<32x128xf32, #tpu.memory_space<vmem>>) target(%dma_start3A_466 : memref<32x128xf32, #tpu.memory_space<hbm>>) target_semaphore(%arg9 : memref<!tpu.dma_semaphore, #tpu.memory_space<semaphore_mem>>)
    %dma_wait3A_471 = arith.constant 12 : i32
    %dma_wait3A_472 = arith.constant 0 : i32
    %dma_wait3A_473 = arith.constant 0 : i32
    %dma_wait3A_474 = tpu.memref_slice %arg7[%dma_wait3A_471, %dma_wait3A_472, %dma_wait3A_473] : memref<16x32x128xf32, #tpu.memory_space<vmem>> -> memref<1x32x128xf32, #tpu.memory_space<vmem>>
    %dma_wait3A_475 = tpu.memref_squeeze %dma_wait3A_474 : memref<1x32x128xf32, #tpu.memory_space<vmem>> -> memref<32x128xf32, #tpu.memory_space<vmem>>
    %dma_wait3A_476 = arith.constant 384 : i32
    %dma_wait3A_477 = tpu.memref_slice %arg6[%dma_wait3A_476] : memref<512xi32, #tpu.memory_space<vmem>> -> memref<32xi32, #tpu.memory_space<vmem>>
    %dma_wait3A_478 = arith.constant 0 : i32
    %dma_wait3A_479 = arith.constant 0 : i32
    %dma_wait3A_480 = tpu.memref_slice %arg5[%dma_wait3A_478, %dma_wait3A_479] : memref<1000x128xf32, #tpu.memory_space<vmem_shared>> -> memref<1000x128xf32, #tpu.memory_space<vmem_shared>>
    tpu.wait_indirect_dma semaphore(%arg8 : memref<!tpu.dma_semaphore, #tpu.memory_space<semaphore_mem>>) src(%dma_wait3A_480 : memref<1000x128xf32, #tpu.memory_space<vmem_shared>>) dst(%dma_wait3A_475 : memref<32x128xf32, #tpu.memory_space<vmem>>)
    %add3A_481 = arith.constant 384 : i32
    %add3A_482 = arith.addi %mul3A_2, %add3A_481 : i32
    %dma_start3A_483 = arith.constant 12 : i32
    %dma_start3A_484 = arith.constant 0 : i32
    %dma_start3A_485 = arith.constant 0 : i32
    %dma_start3A_486 = tpu.memref_slice %arg7[%dma_start3A_483, %dma_start3A_484, %dma_start3A_485] : memref<16x32x128xf32, #tpu.memory_space<vmem>> -> memref<1x32x128xf32, #tpu.memory_space<vmem>>
    %dma_start3A_487 = tpu.memref_squeeze %dma_start3A_486 : memref<1x32x128xf32, #tpu.memory_space<vmem>> -> memref<32x128xf32, #tpu.memory_space<vmem>>
    %dma_start3A_488 = arith.constant 0 : i32
    %dma_start3A_489 = tpu.memref_slice %arg4[%add3A_482, %dma_start3A_488] : memref<16384x128xf32, #tpu.memory_space<hbm>> -> memref<32x128xf32, #tpu.memory_space<hbm>>
    %dma_start3A_490 = arith.constant 0 : i32
    %dma_start3A_491 = tpu.memref_slice %arg4[%add3A_482, %dma_start3A_490] : memref<16384x128xf32, #tpu.memory_space<hbm>> -> memref<32x128xf32, #tpu.memory_space<hbm>>
    %dma_start3A_492 = arith.constant 0 : i32
    %dma_start3A_493 = arith.constant 0 : i32
    %dma_start3A_494 = tpu.memref_slice %arg7[%dma_start3A_483, %dma_start3A_492, %dma_start3A_493] : memref<16x32x128xf32, #tpu.memory_space<vmem>> -> memref<1x32x128xf32, #tpu.memory_space<vmem>>
    %dma_start3A_495 = tpu.memref_squeeze %dma_start3A_494 : memref<1x32x128xf32, #tpu.memory_space<vmem>> -> memref<32x128xf32, #tpu.memory_space<vmem>>
    tpu.enqueue_dma source(%dma_start3A_495 : memref<32x128xf32, #tpu.memory_space<vmem>>) target(%dma_start3A_491 : memref<32x128xf32, #tpu.memory_space<hbm>>) target_semaphore(%arg9 : memref<!tpu.dma_semaphore, #tpu.memory_space<semaphore_mem>>)
    %dma_wait3A_496 = arith.constant 13 : i32
    %dma_wait3A_497 = arith.constant 0 : i32
    %dma_wait3A_498 = arith.constant 0 : i32
    %dma_wait3A_499 = tpu.memref_slice %arg7[%dma_wait3A_496, %dma_wait3A_497, %dma_wait3A_498] : memref<16x32x128xf32, #tpu.memory_space<vmem>> -> memref<1x32x128xf32, #tpu.memory_space<vmem>>
    %dma_wait3A_500 = tpu.memref_squeeze %dma_wait3A_499 : memref<1x32x128xf32, #tpu.memory_space<vmem>> -> memref<32x128xf32, #tpu.memory_space<vmem>>
    %dma_wait3A_501 = arith.constant 416 : i32
    %dma_wait3A_502 = tpu.memref_slice %arg6[%dma_wait3A_501] : memref<512xi32, #tpu.memory_space<vmem>> -> memref<32xi32, #tpu.memory_space<vmem>>
    %dma_wait3A_503 = arith.constant 0 : i32
    %dma_wait3A_504 = arith.constant 0 : i32
    %dma_wait3A_505 = tpu.memref_slice %arg5[%dma_wait3A_503, %dma_wait3A_504] : memref<1000x128xf32, #tpu.memory_space<vmem_shared>> -> memref<1000x128xf32, #tpu.memory_space<vmem_shared>>
    tpu.wait_indirect_dma semaphore(%arg8 : memref<!tpu.dma_semaphore, #tpu.memory_space<semaphore_mem>>) src(%dma_wait3A_505 : memref<1000x128xf32, #tpu.memory_space<vmem_shared>>) dst(%dma_wait3A_500 : memref<32x128xf32, #tpu.memory_space<vmem>>)
    %add3A_506 = arith.constant 416 : i32
    %add3A_507 = arith.addi %mul3A_2, %add3A_506 : i32
    %dma_start3A_508 = arith.constant 13 : i32
    %dma_start3A_509 = arith.constant 0 : i32
    %dma_start3A_510 = arith.constant 0 : i32
    %dma_start3A_511 = tpu.memref_slice %arg7[%dma_start3A_508, %dma_start3A_509, %dma_start3A_510] : memref<16x32x128xf32, #tpu.memory_space<vmem>> -> memref<1x32x128xf32, #tpu.memory_space<vmem>>
    %dma_start3A_512 = tpu.memref_squeeze %dma_start3A_511 : memref<1x32x128xf32, #tpu.memory_space<vmem>> -> memref<32x128xf32, #tpu.memory_space<vmem>>
    %dma_start3A_513 = arith.constant 0 : i32
    %dma_start3A_514 = tpu.memref_slice %arg4[%add3A_507, %dma_start3A_513] : memref<16384x128xf32, #tpu.memory_space<hbm>> -> memref<32x128xf32, #tpu.memory_space<hbm>>
    %dma_start3A_515 = arith.constant 0 : i32
    %dma_start3A_516 = tpu.memref_slice %arg4[%add3A_507, %dma_start3A_515] : memref<16384x128xf32, #tpu.memory_space<hbm>> -> memref<32x128xf32, #tpu.memory_space<hbm>>
    %dma_start3A_517 = arith.constant 0 : i32
    %dma_start3A_518 = arith.constant 0 : i32
    %dma_start3A_519 = tpu.memref_slice %arg7[%dma_start3A_508, %dma_start3A_517, %dma_start3A_518] : memref<16x32x128xf32, #tpu.memory_space<vmem>> -> memref<1x32x128xf32, #tpu.memory_space<vmem>>
    %dma_start3A_520 = tpu.memref_squeeze %dma_start3A_519 : memref<1x32x128xf32, #tpu.memory_space<vmem>> -> memref<32x128xf32, #tpu.memory_space<vmem>>
    tpu.enqueue_dma source(%dma_start3A_520 : memref<32x128xf32, #tpu.memory_space<vmem>>) target(%dma_start3A_516 : memref<32x128xf32, #tpu.memory_space<hbm>>) target_semaphore(%arg9 : memref<!tpu.dma_semaphore, #tpu.memory_space<semaphore_mem>>)
    %dma_wait3A_521 = arith.constant 14 : i32
    %dma_wait3A_522 = arith.constant 0 : i32
    %dma_wait3A_523 = arith.constant 0 : i32
    %dma_wait3A_524 = tpu.memref_slice %arg7[%dma_wait3A_521, %dma_wait3A_522, %dma_wait3A_523] : memref<16x32x128xf32, #tpu.memory_space<vmem>> -> memref<1x32x128xf32, #tpu.memory_space<vmem>>
    %dma_wait3A_525 = tpu.memref_squeeze %dma_wait3A_524 : memref<1x32x128xf32, #tpu.memory_space<vmem>> -> memref<32x128xf32, #tpu.memory_space<vmem>>
    %dma_wait3A_526 = arith.constant 448 : i32
    %dma_wait3A_527 = tpu.memref_slice %arg6[%dma_wait3A_526] : memref<512xi32, #tpu.memory_space<vmem>> -> memref<32xi32, #tpu.memory_space<vmem>>
    %dma_wait3A_528 = arith.constant 0 : i32
    %dma_wait3A_529 = arith.constant 0 : i32
    %dma_wait3A_530 = tpu.memref_slice %arg5[%dma_wait3A_528, %dma_wait3A_529] : memref<1000x128xf32, #tpu.memory_space<vmem_shared>> -> memref<1000x128xf32, #tpu.memory_space<vmem_shared>>
    tpu.wait_indirect_dma semaphore(%arg8 : memref<!tpu.dma_semaphore, #tpu.memory_space<semaphore_mem>>) src(%dma_wait3A_530 : memref<1000x128xf32, #tpu.memory_space<vmem_shared>>) dst(%dma_wait3A_525 : memref<32x128xf32, #tpu.memory_space<vmem>>)
    %add3A_531 = arith.constant 448 : i32
    %add3A_532 = arith.addi %mul3A_2, %add3A_531 : i32
    %dma_start3A_533 = arith.constant 14 : i32
    %dma_start3A_534 = arith.constant 0 : i32
    %dma_start3A_535 = arith.constant 0 : i32
    %dma_start3A_536 = tpu.memref_slice %arg7[%dma_start3A_533, %dma_start3A_534, %dma_start3A_535] : memref<16x32x128xf32, #tpu.memory_space<vmem>> -> memref<1x32x128xf32, #tpu.memory_space<vmem>>
    %dma_start3A_537 = tpu.memref_squeeze %dma_start3A_536 : memref<1x32x128xf32, #tpu.memory_space<vmem>> -> memref<32x128xf32, #tpu.memory_space<vmem>>
    %dma_start3A_538 = arith.constant 0 : i32
    %dma_start3A_539 = tpu.memref_slice %arg4[%add3A_532, %dma_start3A_538] : memref<16384x128xf32, #tpu.memory_space<hbm>> -> memref<32x128xf32, #tpu.memory_space<hbm>>
    %dma_start3A_540 = arith.constant 0 : i32
    %dma_start3A_541 = tpu.memref_slice %arg4[%add3A_532, %dma_start3A_540] : memref<16384x128xf32, #tpu.memory_space<hbm>> -> memref<32x128xf32, #tpu.memory_space<hbm>>
    %dma_start3A_542 = arith.constant 0 : i32
    %dma_start3A_543 = arith.constant 0 : i32
    %dma_start3A_544 = tpu.memref_slice %arg7[%dma_start3A_533, %dma_start3A_542, %dma_start3A_543] : memref<16x32x128xf32, #tpu.memory_space<vmem>> -> memref<1x32x128xf32, #tpu.memory_space<vmem>>
    %dma_start3A_545 = tpu.memref_squeeze %dma_start3A_544 : memref<1x32x128xf32, #tpu.memory_space<vmem>> -> memref<32x128xf32, #tpu.memory_space<vmem>>
    tpu.enqueue_dma source(%dma_start3A_545 : memref<32x128xf32, #tpu.memory_space<vmem>>) target(%dma_start3A_541 : memref<32x128xf32, #tpu.memory_space<hbm>>) target_semaphore(%arg9 : memref<!tpu.dma_semaphore, #tpu.memory_space<semaphore_mem>>)
    %dma_wait3A_546 = arith.constant 15 : i32
    %dma_wait3A_547 = arith.constant 0 : i32
    %dma_wait3A_548 = arith.constant 0 : i32
    %dma_wait3A_549 = tpu.memref_slice %arg7[%dma_wait3A_546, %dma_wait3A_547, %dma_wait3A_548] : memref<16x32x128xf32, #tpu.memory_space<vmem>> -> memref<1x32x128xf32, #tpu.memory_space<vmem>>
    %dma_wait3A_550 = tpu.memref_squeeze %dma_wait3A_549 : memref<1x32x128xf32, #tpu.memory_space<vmem>> -> memref<32x128xf32, #tpu.memory_space<vmem>>
    %dma_wait3A_551 = arith.constant 480 : i32
    %dma_wait3A_552 = tpu.memref_slice %arg6[%dma_wait3A_551] : memref<512xi32, #tpu.memory_space<vmem>> -> memref<32xi32, #tpu.memory_space<vmem>>
    %dma_wait3A_553 = arith.constant 0 : i32
    %dma_wait3A_554 = arith.constant 0 : i32
    %dma_wait3A_555 = tpu.memref_slice %arg5[%dma_wait3A_553, %dma_wait3A_554] : memref<1000x128xf32, #tpu.memory_space<vmem_shared>> -> memref<1000x128xf32, #tpu.memory_space<vmem_shared>>
    tpu.wait_indirect_dma semaphore(%arg8 : memref<!tpu.dma_semaphore, #tpu.memory_space<semaphore_mem>>) src(%dma_wait3A_555 : memref<1000x128xf32, #tpu.memory_space<vmem_shared>>) dst(%dma_wait3A_550 : memref<32x128xf32, #tpu.memory_space<vmem>>)
    %add3A_556 = arith.constant 480 : i32
    %add3A_557 = arith.addi %mul3A_2, %add3A_556 : i32
    %dma_start3A_558 = arith.constant 15 : i32
    %dma_start3A_559 = arith.constant 0 : i32
    %dma_start3A_560 = arith.constant 0 : i32
    %dma_start3A_561 = tpu.memref_slice %arg7[%dma_start3A_558, %dma_start3A_559, %dma_start3A_560] : memref<16x32x128xf32, #tpu.memory_space<vmem>> -> memref<1x32x128xf32, #tpu.memory_space<vmem>>
    %dma_start3A_562 = tpu.memref_squeeze %dma_start3A_561 : memref<1x32x128xf32, #tpu.memory_space<vmem>> -> memref<32x128xf32, #tpu.memory_space<vmem>>
    %dma_start3A_563 = arith.constant 0 : i32
    %dma_start3A_564 = tpu.memref_slice %arg4[%add3A_557, %dma_start3A_563] : memref<16384x128xf32, #tpu.memory_space<hbm>> -> memref<32x128xf32, #tpu.memory_space<hbm>>
    %dma_start3A_565 = arith.constant 0 : i32
    %dma_start3A_566 = tpu.memref_slice %arg4[%add3A_557, %dma_start3A_565] : memref<16384x128xf32, #tpu.memory_space<hbm>> -> memref<32x128xf32, #tpu.memory_space<hbm>>
    %dma_start3A_567 = arith.constant 0 : i32
    %dma_start3A_568 = arith.constant 0 : i32
    %dma_start3A_569 = tpu.memref_slice %arg7[%dma_start3A_558, %dma_start3A_567, %dma_start3A_568] : memref<16x32x128xf32, #tpu.memory_space<vmem>> -> memref<1x32x128xf32, #tpu.memory_space<vmem>>
    %dma_start3A_570 = tpu.memref_squeeze %dma_start3A_569 : memref<1x32x128xf32, #tpu.memory_space<vmem>> -> memref<32x128xf32, #tpu.memory_space<vmem>>
    tpu.enqueue_dma source(%dma_start3A_570 : memref<32x128xf32, #tpu.memory_space<vmem>>) target(%dma_start3A_566 : memref<32x128xf32, #tpu.memory_space<hbm>>) target_semaphore(%arg9 : memref<!tpu.dma_semaphore, #tpu.memory_space<semaphore_mem>>)
    %dma_wait3A_571 = arith.constant 0 : i32
    %dma_wait3A_572 = arith.constant 0 : i32
    %dma_wait3A_573 = arith.constant 0 : i32
    %dma_wait3A_574 = tpu.memref_slice %arg7[%dma_wait3A_571, %dma_wait3A_572, %dma_wait3A_573] : memref<16x32x128xf32, #tpu.memory_space<vmem>> -> memref<1x32x128xf32, #tpu.memory_space<vmem>>
    %dma_wait3A_575 = tpu.memref_squeeze %dma_wait3A_574 : memref<1x32x128xf32, #tpu.memory_space<vmem>> -> memref<32x128xf32, #tpu.memory_space<vmem>>
    %dma_wait3A_576 = arith.constant 0 : i32
    %dma_wait3A_577 = tpu.memref_slice %arg4[%add3A_182, %dma_wait3A_576] : memref<16384x128xf32, #tpu.memory_space<hbm>> -> memref<32x128xf32, #tpu.memory_space<hbm>>
    %dma_wait3A_578 = arith.constant 0 : i32
    %dma_wait3A_579 = tpu.memref_slice %arg4[%add3A_182, %dma_wait3A_578] : memref<16384x128xf32, #tpu.memory_space<hbm>> -> memref<32x128xf32, #tpu.memory_space<hbm>>
    %dma_wait3A_580 = arith.constant 0 : i32
    %dma_wait3A_581 = arith.constant 0 : i32
    %dma_wait3A_582 = tpu.memref_slice %arg7[%dma_wait3A_571, %dma_wait3A_580, %dma_wait3A_581] : memref<16x32x128xf32, #tpu.memory_space<vmem>> -> memref<1x32x128xf32, #tpu.memory_space<vmem>>
    %dma_wait3A_583 = tpu.memref_squeeze %dma_wait3A_582 : memref<1x32x128xf32, #tpu.memory_space<vmem>> -> memref<32x128xf32, #tpu.memory_space<vmem>>
    tpu.wait_dma2 semaphore(%arg9 : memref<!tpu.dma_semaphore, #tpu.memory_space<semaphore_mem>>) src(%dma_wait3A_583 : memref<32x128xf32, #tpu.memory_space<vmem>>) dst(%dma_wait3A_579 : memref<32x128xf32, #tpu.memory_space<hbm>>)
    %dma_wait3A_584 = arith.constant 1 : i32
    %dma_wait3A_585 = arith.constant 0 : i32
    %dma_wait3A_586 = arith.constant 0 : i32
    %dma_wait3A_587 = tpu.memref_slice %arg7[%dma_wait3A_584, %dma_wait3A_585, %dma_wait3A_586] : memref<16x32x128xf32, #tpu.memory_space<vmem>> -> memref<1x32x128xf32, #tpu.memory_space<vmem>>
    %dma_wait3A_588 = tpu.memref_squeeze %dma_wait3A_587 : memref<1x32x128xf32, #tpu.memory_space<vmem>> -> memref<32x128xf32, #tpu.memory_space<vmem>>
    %dma_wait3A_589 = arith.constant 0 : i32
    %dma_wait3A_590 = tpu.memref_slice %arg4[%add3A_207, %dma_wait3A_589] : memref<16384x128xf32, #tpu.memory_space<hbm>> -> memref<32x128xf32, #tpu.memory_space<hbm>>
    %dma_wait3A_591 = arith.constant 0 : i32
    %dma_wait3A_592 = tpu.memref_slice %arg4[%add3A_207, %dma_wait3A_591] : memref<16384x128xf32, #tpu.memory_space<hbm>> -> memref<32x128xf32, #tpu.memory_space<hbm>>
    %dma_wait3A_593 = arith.constant 0 : i32
    %dma_wait3A_594 = arith.constant 0 : i32
    %dma_wait3A_595 = tpu.memref_slice %arg7[%dma_wait3A_584, %dma_wait3A_593, %dma_wait3A_594] : memref<16x32x128xf32, #tpu.memory_space<vmem>> -> memref<1x32x128xf32, #tpu.memory_space<vmem>>
    %dma_wait3A_596 = tpu.memref_squeeze %dma_wait3A_595 : memref<1x32x128xf32, #tpu.memory_space<vmem>> -> memref<32x128xf32, #tpu.memory_space<vmem>>
    tpu.wait_dma2 semaphore(%arg9 : memref<!tpu.dma_semaphore, #tpu.memory_space<semaphore_mem>>) src(%dma_wait3A_596 : memref<32x128xf32, #tpu.memory_space<vmem>>) dst(%dma_wait3A_592 : memref<32x128xf32, #tpu.memory_space<hbm>>)
    %dma_wait3A_597 = arith.constant 2 : i32
    %dma_wait3A_598 = arith.constant 0 : i32
    %dma_wait3A_599 = arith.constant 0 : i32
    %dma_wait3A_600 = tpu.memref_slice %arg7[%dma_wait3A_597, %dma_wait3A_598, %dma_wait3A_599] : memref<16x32x128xf32, #tpu.memory_space<vmem>> -> memref<1x32x128xf32, #tpu.memory_space<vmem>>
    %dma_wait3A_601 = tpu.memref_squeeze %dma_wait3A_600 : memref<1x32x128xf32, #tpu.memory_space<vmem>> -> memref<32x128xf32, #tpu.memory_space<vmem>>
    %dma_wait3A_602 = arith.constant 0 : i32
    %dma_wait3A_603 = tpu.memref_slice %arg4[%add3A_232, %dma_wait3A_602] : memref<16384x128xf32, #tpu.memory_space<hbm>> -> memref<32x128xf32, #tpu.memory_space<hbm>>
    %dma_wait3A_604 = arith.constant 0 : i32
    %dma_wait3A_605 = tpu.memref_slice %arg4[%add3A_232, %dma_wait3A_604] : memref<16384x128xf32, #tpu.memory_space<hbm>> -> memref<32x128xf32, #tpu.memory_space<hbm>>
    %dma_wait3A_606 = arith.constant 0 : i32
    %dma_wait3A_607 = arith.constant 0 : i32
    %dma_wait3A_608 = tpu.memref_slice %arg7[%dma_wait3A_597, %dma_wait3A_606, %dma_wait3A_607] : memref<16x32x128xf32, #tpu.memory_space<vmem>> -> memref<1x32x128xf32, #tpu.memory_space<vmem>>
    %dma_wait3A_609 = tpu.memref_squeeze %dma_wait3A_608 : memref<1x32x128xf32, #tpu.memory_space<vmem>> -> memref<32x128xf32, #tpu.memory_space<vmem>>
    tpu.wait_dma2 semaphore(%arg9 : memref<!tpu.dma_semaphore, #tpu.memory_space<semaphore_mem>>) src(%dma_wait3A_609 : memref<32x128xf32, #tpu.memory_space<vmem>>) dst(%dma_wait3A_605 : memref<32x128xf32, #tpu.memory_space<hbm>>)
    %dma_wait3A_610 = arith.constant 3 : i32
    %dma_wait3A_611 = arith.constant 0 : i32
    %dma_wait3A_612 = arith.constant 0 : i32
    %dma_wait3A_613 = tpu.memref_slice %arg7[%dma_wait3A_610, %dma_wait3A_611, %dma_wait3A_612] : memref<16x32x128xf32, #tpu.memory_space<vmem>> -> memref<1x32x128xf32, #tpu.memory_space<vmem>>
    %dma_wait3A_614 = tpu.memref_squeeze %dma_wait3A_613 : memref<1x32x128xf32, #tpu.memory_space<vmem>> -> memref<32x128xf32, #tpu.memory_space<vmem>>
    %dma_wait3A_615 = arith.constant 0 : i32
    %dma_wait3A_616 = tpu.memref_slice %arg4[%add3A_257, %dma_wait3A_615] : memref<16384x128xf32, #tpu.memory_space<hbm>> -> memref<32x128xf32, #tpu.memory_space<hbm>>
    %dma_wait3A_617 = arith.constant 0 : i32
    %dma_wait3A_618 = tpu.memref_slice %arg4[%add3A_257, %dma_wait3A_617] : memref<16384x128xf32, #tpu.memory_space<hbm>> -> memref<32x128xf32, #tpu.memory_space<hbm>>
    %dma_wait3A_619 = arith.constant 0 : i32
    %dma_wait3A_620 = arith.constant 0 : i32
    %dma_wait3A_621 = tpu.memref_slice %arg7[%dma_wait3A_610, %dma_wait3A_619, %dma_wait3A_620] : memref<16x32x128xf32, #tpu.memory_space<vmem>> -> memref<1x32x128xf32, #tpu.memory_space<vmem>>
    %dma_wait3A_622 = tpu.memref_squeeze %dma_wait3A_621 : memref<1x32x128xf32, #tpu.memory_space<vmem>> -> memref<32x128xf32, #tpu.memory_space<vmem>>
    tpu.wait_dma2 semaphore(%arg9 : memref<!tpu.dma_semaphore, #tpu.memory_space<semaphore_mem>>) src(%dma_wait3A_622 : memref<32x128xf32, #tpu.memory_space<vmem>>) dst(%dma_wait3A_618 : memref<32x128xf32, #tpu.memory_space<hbm>>)
    %dma_wait3A_623 = arith.constant 4 : i32
    %dma_wait3A_624 = arith.constant 0 : i32
    %dma_wait3A_625 = arith.constant 0 : i32
    %dma_wait3A_626 = tpu.memref_slice %arg7[%dma_wait3A_623, %dma_wait3A_624, %dma_wait3A_625] : memref<16x32x128xf32, #tpu.memory_space<vmem>> -> memref<1x32x128xf32, #tpu.memory_space<vmem>>
    %dma_wait3A_627 = tpu.memref_squeeze %dma_wait3A_626 : memref<1x32x128xf32, #tpu.memory_space<vmem>> -> memref<32x128xf32, #tpu.memory_space<vmem>>
    %dma_wait3A_628 = arith.constant 0 : i32
    %dma_wait3A_629 = tpu.memref_slice %arg4[%add3A_282, %dma_wait3A_628] : memref<16384x128xf32, #tpu.memory_space<hbm>> -> memref<32x128xf32, #tpu.memory_space<hbm>>
    %dma_wait3A_630 = arith.constant 0 : i32
    %dma_wait3A_631 = tpu.memref_slice %arg4[%add3A_282, %dma_wait3A_630] : memref<16384x128xf32, #tpu.memory_space<hbm>> -> memref<32x128xf32, #tpu.memory_space<hbm>>
    %dma_wait3A_632 = arith.constant 0 : i32
    %dma_wait3A_633 = arith.constant 0 : i32
    %dma_wait3A_634 = tpu.memref_slice %arg7[%dma_wait3A_623, %dma_wait3A_632, %dma_wait3A_633] : memref<16x32x128xf32, #tpu.memory_space<vmem>> -> memref<1x32x128xf32, #tpu.memory_space<vmem>>
    %dma_wait3A_635 = tpu.memref_squeeze %dma_wait3A_634 : memref<1x32x128xf32, #tpu.memory_space<vmem>> -> memref<32x128xf32, #tpu.memory_space<vmem>>
    tpu.wait_dma2 semaphore(%arg9 : memref<!tpu.dma_semaphore, #tpu.memory_space<semaphore_mem>>) src(%dma_wait3A_635 : memref<32x128xf32, #tpu.memory_space<vmem>>) dst(%dma_wait3A_631 : memref<32x128xf32, #tpu.memory_space<hbm>>)
    %dma_wait3A_636 = arith.constant 5 : i32
    %dma_wait3A_637 = arith.constant 0 : i32
    %dma_wait3A_638 = arith.constant 0 : i32
    %dma_wait3A_639 = tpu.memref_slice %arg7[%dma_wait3A_636, %dma_wait3A_637, %dma_wait3A_638] : memref<16x32x128xf32, #tpu.memory_space<vmem>> -> memref<1x32x128xf32, #tpu.memory_space<vmem>>
    %dma_wait3A_640 = tpu.memref_squeeze %dma_wait3A_639 : memref<1x32x128xf32, #tpu.memory_space<vmem>> -> memref<32x128xf32, #tpu.memory_space<vmem>>
    %dma_wait3A_641 = arith.constant 0 : i32
    %dma_wait3A_642 = tpu.memref_slice %arg4[%add3A_307, %dma_wait3A_641] : memref<16384x128xf32, #tpu.memory_space<hbm>> -> memref<32x128xf32, #tpu.memory_space<hbm>>
    %dma_wait3A_643 = arith.constant 0 : i32
    %dma_wait3A_644 = tpu.memref_slice %arg4[%add3A_307, %dma_wait3A_643] : memref<16384x128xf32, #tpu.memory_space<hbm>> -> memref<32x128xf32, #tpu.memory_space<hbm>>
    %dma_wait3A_645 = arith.constant 0 : i32
    %dma_wait3A_646 = arith.constant 0 : i32
    %dma_wait3A_647 = tpu.memref_slice %arg7[%dma_wait3A_636, %dma_wait3A_645, %dma_wait3A_646] : memref<16x32x128xf32, #tpu.memory_space<vmem>> -> memref<1x32x128xf32, #tpu.memory_space<vmem>>
    %dma_wait3A_648 = tpu.memref_squeeze %dma_wait3A_647 : memref<1x32x128xf32, #tpu.memory_space<vmem>> -> memref<32x128xf32, #tpu.memory_space<vmem>>
    tpu.wait_dma2 semaphore(%arg9 : memref<!tpu.dma_semaphore, #tpu.memory_space<semaphore_mem>>) src(%dma_wait3A_648 : memref<32x128xf32, #tpu.memory_space<vmem>>) dst(%dma_wait3A_644 : memref<32x128xf32, #tpu.memory_space<hbm>>)
    %dma_wait3A_649 = arith.constant 6 : i32
    %dma_wait3A_650 = arith.constant 0 : i32
    %dma_wait3A_651 = arith.constant 0 : i32
    %dma_wait3A_652 = tpu.memref_slice %arg7[%dma_wait3A_649, %dma_wait3A_650, %dma_wait3A_651] : memref<16x32x128xf32, #tpu.memory_space<vmem>> -> memref<1x32x128xf32, #tpu.memory_space<vmem>>
    %dma_wait3A_653 = tpu.memref_squeeze %dma_wait3A_652 : memref<1x32x128xf32, #tpu.memory_space<vmem>> -> memref<32x128xf32, #tpu.memory_space<vmem>>
    %dma_wait3A_654 = arith.constant 0 : i32
    %dma_wait3A_655 = tpu.memref_slice %arg4[%add3A_332, %dma_wait3A_654] : memref<16384x128xf32, #tpu.memory_space<hbm>> -> memref<32x128xf32, #tpu.memory_space<hbm>>
    %dma_wait3A_656 = arith.constant 0 : i32
    %dma_wait3A_657 = tpu.memref_slice %arg4[%add3A_332, %dma_wait3A_656] : memref<16384x128xf32, #tpu.memory_space<hbm>> -> memref<32x128xf32, #tpu.memory_space<hbm>>
    %dma_wait3A_658 = arith.constant 0 : i32
    %dma_wait3A_659 = arith.constant 0 : i32
    %dma_wait3A_660 = tpu.memref_slice %arg7[%dma_wait3A_649, %dma_wait3A_658, %dma_wait3A_659] : memref<16x32x128xf32, #tpu.memory_space<vmem>> -> memref<1x32x128xf32, #tpu.memory_space<vmem>>
    %dma_wait3A_661 = tpu.memref_squeeze %dma_wait3A_660 : memref<1x32x128xf32, #tpu.memory_space<vmem>> -> memref<32x128xf32, #tpu.memory_space<vmem>>
    tpu.wait_dma2 semaphore(%arg9 : memref<!tpu.dma_semaphore, #tpu.memory_space<semaphore_mem>>) src(%dma_wait3A_661 : memref<32x128xf32, #tpu.memory_space<vmem>>) dst(%dma_wait3A_657 : memref<32x128xf32, #tpu.memory_space<hbm>>)
    %dma_wait3A_662 = arith.constant 7 : i32
    %dma_wait3A_663 = arith.constant 0 : i32
    %dma_wait3A_664 = arith.constant 0 : i32
    %dma_wait3A_665 = tpu.memref_slice %arg7[%dma_wait3A_662, %dma_wait3A_663, %dma_wait3A_664] : memref<16x32x128xf32, #tpu.memory_space<vmem>> -> memref<1x32x128xf32, #tpu.memory_space<vmem>>
    %dma_wait3A_666 = tpu.memref_squeeze %dma_wait3A_665 : memref<1x32x128xf32, #tpu.memory_space<vmem>> -> memref<32x128xf32, #tpu.memory_space<vmem>>
    %dma_wait3A_667 = arith.constant 0 : i32
    %dma_wait3A_668 = tpu.memref_slice %arg4[%add3A_357, %dma_wait3A_667] : memref<16384x128xf32, #tpu.memory_space<hbm>> -> memref<32x128xf32, #tpu.memory_space<hbm>>
    %dma_wait3A_669 = arith.constant 0 : i32
    %dma_wait3A_670 = tpu.memref_slice %arg4[%add3A_357, %dma_wait3A_669] : memref<16384x128xf32, #tpu.memory_space<hbm>> -> memref<32x128xf32, #tpu.memory_space<hbm>>
    %dma_wait3A_671 = arith.constant 0 : i32
    %dma_wait3A_672 = arith.constant 0 : i32
    %dma_wait3A_673 = tpu.memref_slice %arg7[%dma_wait3A_662, %dma_wait3A_671, %dma_wait3A_672] : memref<16x32x128xf32, #tpu.memory_space<vmem>> -> memref<1x32x128xf32, #tpu.memory_space<vmem>>
    %dma_wait3A_674 = tpu.memref_squeeze %dma_wait3A_673 : memref<1x32x128xf32, #tpu.memory_space<vmem>> -> memref<32x128xf32, #tpu.memory_space<vmem>>
    tpu.wait_dma2 semaphore(%arg9 : memref<!tpu.dma_semaphore, #tpu.memory_space<semaphore_mem>>) src(%dma_wait3A_674 : memref<32x128xf32, #tpu.memory_space<vmem>>) dst(%dma_wait3A_670 : memref<32x128xf32, #tpu.memory_space<hbm>>)
    %dma_wait3A_675 = arith.constant 8 : i32
    %dma_wait3A_676 = arith.constant 0 : i32
    %dma_wait3A_677 = arith.constant 0 : i32
    %dma_wait3A_678 = tpu.memref_slice %arg7[%dma_wait3A_675, %dma_wait3A_676, %dma_wait3A_677] : memref<16x32x128xf32, #tpu.memory_space<vmem>> -> memref<1x32x128xf32, #tpu.memory_space<vmem>>
    %dma_wait3A_679 = tpu.memref_squeeze %dma_wait3A_678 : memref<1x32x128xf32, #tpu.memory_space<vmem>> -> memref<32x128xf32, #tpu.memory_space<vmem>>
    %dma_wait3A_680 = arith.constant 0 : i32
    %dma_wait3A_681 = tpu.memref_slice %arg4[%add3A_382, %dma_wait3A_680] : memref<16384x128xf32, #tpu.memory_space<hbm>> -> memref<32x128xf32, #tpu.memory_space<hbm>>
    %dma_wait3A_682 = arith.constant 0 : i32
    %dma_wait3A_683 = tpu.memref_slice %arg4[%add3A_382, %dma_wait3A_682] : memref<16384x128xf32, #tpu.memory_space<hbm>> -> memref<32x128xf32, #tpu.memory_space<hbm>>
    %dma_wait3A_684 = arith.constant 0 : i32
    %dma_wait3A_685 = arith.constant 0 : i32
    %dma_wait3A_686 = tpu.memref_slice %arg7[%dma_wait3A_675, %dma_wait3A_684, %dma_wait3A_685] : memref<16x32x128xf32, #tpu.memory_space<vmem>> -> memref<1x32x128xf32, #tpu.memory_space<vmem>>
    %dma_wait3A_687 = tpu.memref_squeeze %dma_wait3A_686 : memref<1x32x128xf32, #tpu.memory_space<vmem>> -> memref<32x128xf32, #tpu.memory_space<vmem>>
    tpu.wait_dma2 semaphore(%arg9 : memref<!tpu.dma_semaphore, #tpu.memory_space<semaphore_mem>>) src(%dma_wait3A_687 : memref<32x128xf32, #tpu.memory_space<vmem>>) dst(%dma_wait3A_683 : memref<32x128xf32, #tpu.memory_space<hbm>>)
    %dma_wait3A_688 = arith.constant 9 : i32
    %dma_wait3A_689 = arith.constant 0 : i32
    %dma_wait3A_690 = arith.constant 0 : i32
    %dma_wait3A_691 = tpu.memref_slice %arg7[%dma_wait3A_688, %dma_wait3A_689, %dma_wait3A_690] : memref<16x32x128xf32, #tpu.memory_space<vmem>> -> memref<1x32x128xf32, #tpu.memory_space<vmem>>
    %dma_wait3A_692 = tpu.memref_squeeze %dma_wait3A_691 : memref<1x32x128xf32, #tpu.memory_space<vmem>> -> memref<32x128xf32, #tpu.memory_space<vmem>>
    %dma_wait3A_693 = arith.constant 0 : i32
    %dma_wait3A_694 = tpu.memref_slice %arg4[%add3A_407, %dma_wait3A_693] : memref<16384x128xf32, #tpu.memory_space<hbm>> -> memref<32x128xf32, #tpu.memory_space<hbm>>
    %dma_wait3A_695 = arith.constant 0 : i32
    %dma_wait3A_696 = tpu.memref_slice %arg4[%add3A_407, %dma_wait3A_695] : memref<16384x128xf32, #tpu.memory_space<hbm>> -> memref<32x128xf32, #tpu.memory_space<hbm>>
    %dma_wait3A_697 = arith.constant 0 : i32
    %dma_wait3A_698 = arith.constant 0 : i32
    %dma_wait3A_699 = tpu.memref_slice %arg7[%dma_wait3A_688, %dma_wait3A_697, %dma_wait3A_698] : memref<16x32x128xf32, #tpu.memory_space<vmem>> -> memref<1x32x128xf32, #tpu.memory_space<vmem>>
    %dma_wait3A_700 = tpu.memref_squeeze %dma_wait3A_699 : memref<1x32x128xf32, #tpu.memory_space<vmem>> -> memref<32x128xf32, #tpu.memory_space<vmem>>
    tpu.wait_dma2 semaphore(%arg9 : memref<!tpu.dma_semaphore, #tpu.memory_space<semaphore_mem>>) src(%dma_wait3A_700 : memref<32x128xf32, #tpu.memory_space<vmem>>) dst(%dma_wait3A_696 : memref<32x128xf32, #tpu.memory_space<hbm>>)
    %dma_wait3A_701 = arith.constant 10 : i32
    %dma_wait3A_702 = arith.constant 0 : i32
    %dma_wait3A_703 = arith.constant 0 : i32
    %dma_wait3A_704 = tpu.memref_slice %arg7[%dma_wait3A_701, %dma_wait3A_702, %dma_wait3A_703] : memref<16x32x128xf32, #tpu.memory_space<vmem>> -> memref<1x32x128xf32, #tpu.memory_space<vmem>>
    %dma_wait3A_705 = tpu.memref_squeeze %dma_wait3A_704 : memref<1x32x128xf32, #tpu.memory_space<vmem>> -> memref<32x128xf32, #tpu.memory_space<vmem>>
    %dma_wait3A_706 = arith.constant 0 : i32
    %dma_wait3A_707 = tpu.memref_slice %arg4[%add3A_432, %dma_wait3A_706] : memref<16384x128xf32, #tpu.memory_space<hbm>> -> memref<32x128xf32, #tpu.memory_space<hbm>>
    %dma_wait3A_708 = arith.constant 0 : i32
    %dma_wait3A_709 = tpu.memref_slice %arg4[%add3A_432, %dma_wait3A_708] : memref<16384x128xf32, #tpu.memory_space<hbm>> -> memref<32x128xf32, #tpu.memory_space<hbm>>
    %dma_wait3A_710 = arith.constant 0 : i32
    %dma_wait3A_711 = arith.constant 0 : i32
    %dma_wait3A_712 = tpu.memref_slice %arg7[%dma_wait3A_701, %dma_wait3A_710, %dma_wait3A_711] : memref<16x32x128xf32, #tpu.memory_space<vmem>> -> memref<1x32x128xf32, #tpu.memory_space<vmem>>
    %dma_wait3A_713 = tpu.memref_squeeze %dma_wait3A_712 : memref<1x32x128xf32, #tpu.memory_space<vmem>> -> memref<32x128xf32, #tpu.memory_space<vmem>>
    tpu.wait_dma2 semaphore(%arg9 : memref<!tpu.dma_semaphore, #tpu.memory_space<semaphore_mem>>) src(%dma_wait3A_713 : memref<32x128xf32, #tpu.memory_space<vmem>>) dst(%dma_wait3A_709 : memref<32x128xf32, #tpu.memory_space<hbm>>)
    %dma_wait3A_714 = arith.constant 11 : i32
    %dma_wait3A_715 = arith.constant 0 : i32
    %dma_wait3A_716 = arith.constant 0 : i32
    %dma_wait3A_717 = tpu.memref_slice %arg7[%dma_wait3A_714, %dma_wait3A_715, %dma_wait3A_716] : memref<16x32x128xf32, #tpu.memory_space<vmem>> -> memref<1x32x128xf32, #tpu.memory_space<vmem>>
    %dma_wait3A_718 = tpu.memref_squeeze %dma_wait3A_717 : memref<1x32x128xf32, #tpu.memory_space<vmem>> -> memref<32x128xf32, #tpu.memory_space<vmem>>
    %dma_wait3A_719 = arith.constant 0 : i32
    %dma_wait3A_720 = tpu.memref_slice %arg4[%add3A_457, %dma_wait3A_719] : memref<16384x128xf32, #tpu.memory_space<hbm>> -> memref<32x128xf32, #tpu.memory_space<hbm>>
    %dma_wait3A_721 = arith.constant 0 : i32
    %dma_wait3A_722 = tpu.memref_slice %arg4[%add3A_457, %dma_wait3A_721] : memref<16384x128xf32, #tpu.memory_space<hbm>> -> memref<32x128xf32, #tpu.memory_space<hbm>>
    %dma_wait3A_723 = arith.constant 0 : i32
    %dma_wait3A_724 = arith.constant 0 : i32
    %dma_wait3A_725 = tpu.memref_slice %arg7[%dma_wait3A_714, %dma_wait3A_723, %dma_wait3A_724] : memref<16x32x128xf32, #tpu.memory_space<vmem>> -> memref<1x32x128xf32, #tpu.memory_space<vmem>>
    %dma_wait3A_726 = tpu.memref_squeeze %dma_wait3A_725 : memref<1x32x128xf32, #tpu.memory_space<vmem>> -> memref<32x128xf32, #tpu.memory_space<vmem>>
    tpu.wait_dma2 semaphore(%arg9 : memref<!tpu.dma_semaphore, #tpu.memory_space<semaphore_mem>>) src(%dma_wait3A_726 : memref<32x128xf32, #tpu.memory_space<vmem>>) dst(%dma_wait3A_722 : memref<32x128xf32, #tpu.memory_space<hbm>>)
    %dma_wait3A_727 = arith.constant 12 : i32
    %dma_wait3A_728 = arith.constant 0 : i32
    %dma_wait3A_729 = arith.constant 0 : i32
    %dma_wait3A_730 = tpu.memref_slice %arg7[%dma_wait3A_727, %dma_wait3A_728, %dma_wait3A_729] : memref<16x32x128xf32, #tpu.memory_space<vmem>> -> memref<1x32x128xf32, #tpu.memory_space<vmem>>
    %dma_wait3A_731 = tpu.memref_squeeze %dma_wait3A_730 : memref<1x32x128xf32, #tpu.memory_space<vmem>> -> memref<32x128xf32, #tpu.memory_space<vmem>>
    %dma_wait3A_732 = arith.constant 0 : i32
    %dma_wait3A_733 = tpu.memref_slice %arg4[%add3A_482, %dma_wait3A_732] : memref<16384x128xf32, #tpu.memory_space<hbm>> -> memref<32x128xf32, #tpu.memory_space<hbm>>
    %dma_wait3A_734 = arith.constant 0 : i32
    %dma_wait3A_735 = tpu.memref_slice %arg4[%add3A_482, %dma_wait3A_734] : memref<16384x128xf32, #tpu.memory_space<hbm>> -> memref<32x128xf32, #tpu.memory_space<hbm>>
    %dma_wait3A_736 = arith.constant 0 : i32
    %dma_wait3A_737 = arith.constant 0 : i32
    %dma_wait3A_738 = tpu.memref_slice %arg7[%dma_wait3A_727, %dma_wait3A_736, %dma_wait3A_737] : memref<16x32x128xf32, #tpu.memory_space<vmem>> -> memref<1x32x128xf32, #tpu.memory_space<vmem>>
    %dma_wait3A_739 = tpu.memref_squeeze %dma_wait3A_738 : memref<1x32x128xf32, #tpu.memory_space<vmem>> -> memref<32x128xf32, #tpu.memory_space<vmem>>
    tpu.wait_dma2 semaphore(%arg9 : memref<!tpu.dma_semaphore, #tpu.memory_space<semaphore_mem>>) src(%dma_wait3A_739 : memref<32x128xf32, #tpu.memory_space<vmem>>) dst(%dma_wait3A_735 : memref<32x128xf32, #tpu.memory_space<hbm>>)
    %dma_wait3A_740 = arith.constant 13 : i32
    %dma_wait3A_741 = arith.constant 0 : i32
    %dma_wait3A_742 = arith.constant 0 : i32
    %dma_wait3A_743 = tpu.memref_slice %arg7[%dma_wait3A_740, %dma_wait3A_741, %dma_wait3A_742] : memref<16x32x128xf32, #tpu.memory_space<vmem>> -> memref<1x32x128xf32, #tpu.memory_space<vmem>>
    %dma_wait3A_744 = tpu.memref_squeeze %dma_wait3A_743 : memref<1x32x128xf32, #tpu.memory_space<vmem>> -> memref<32x128xf32, #tpu.memory_space<vmem>>
    %dma_wait3A_745 = arith.constant 0 : i32
    %dma_wait3A_746 = tpu.memref_slice %arg4[%add3A_507, %dma_wait3A_745] : memref<16384x128xf32, #tpu.memory_space<hbm>> -> memref<32x128xf32, #tpu.memory_space<hbm>>
    %dma_wait3A_747 = arith.constant 0 : i32
    %dma_wait3A_748 = tpu.memref_slice %arg4[%add3A_507, %dma_wait3A_747] : memref<16384x128xf32, #tpu.memory_space<hbm>> -> memref<32x128xf32, #tpu.memory_space<hbm>>
    %dma_wait3A_749 = arith.constant 0 : i32
    %dma_wait3A_750 = arith.constant 0 : i32
    %dma_wait3A_751 = tpu.memref_slice %arg7[%dma_wait3A_740, %dma_wait3A_749, %dma_wait3A_750] : memref<16x32x128xf32, #tpu.memory_space<vmem>> -> memref<1x32x128xf32, #tpu.memory_space<vmem>>
    %dma_wait3A_752 = tpu.memref_squeeze %dma_wait3A_751 : memref<1x32x128xf32, #tpu.memory_space<vmem>> -> memref<32x128xf32, #tpu.memory_space<vmem>>
    tpu.wait_dma2 semaphore(%arg9 : memref<!tpu.dma_semaphore, #tpu.memory_space<semaphore_mem>>) src(%dma_wait3A_752 : memref<32x128xf32, #tpu.memory_space<vmem>>) dst(%dma_wait3A_748 : memref<32x128xf32, #tpu.memory_space<hbm>>)
    %dma_wait3A_753 = arith.constant 14 : i32
    %dma_wait3A_754 = arith.constant 0 : i32
    %dma_wait3A_755 = arith.constant 0 : i32
    %dma_wait3A_756 = tpu.memref_slice %arg7[%dma_wait3A_753, %dma_wait3A_754, %dma_wait3A_755] : memref<16x32x128xf32, #tpu.memory_space<vmem>> -> memref<1x32x128xf32, #tpu.memory_space<vmem>>
    %dma_wait3A_757 = tpu.memref_squeeze %dma_wait3A_756 : memref<1x32x128xf32, #tpu.memory_space<vmem>> -> memref<32x128xf32, #tpu.memory_space<vmem>>
    %dma_wait3A_758 = arith.constant 0 : i32
    %dma_wait3A_759 = tpu.memref_slice %arg4[%add3A_532, %dma_wait3A_758] : memref<16384x128xf32, #tpu.memory_space<hbm>> -> memref<32x128xf32, #tpu.memory_space<hbm>>
    %dma_wait3A_760 = arith.constant 0 : i32
    %dma_wait3A_761 = tpu.memref_slice %arg4[%add3A_532, %dma_wait3A_760] : memref<16384x128xf32, #tpu.memory_space<hbm>> -> memref<32x128xf32, #tpu.memory_space<hbm>>
    %dma_wait3A_762 = arith.constant 0 : i32
    %dma_wait3A_763 = arith.constant 0 : i32
    %dma_wait3A_764 = tpu.memref_slice %arg7[%dma_wait3A_753, %dma_wait3A_762, %dma_wait3A_763] : memref<16x32x128xf32, #tpu.memory_space<vmem>> -> memref<1x32x128xf32, #tpu.memory_space<vmem>>
    %dma_wait3A_765 = tpu.memref_squeeze %dma_wait3A_764 : memref<1x32x128xf32, #tpu.memory_space<vmem>> -> memref<32x128xf32, #tpu.memory_space<vmem>>
    tpu.wait_dma2 semaphore(%arg9 : memref<!tpu.dma_semaphore, #tpu.memory_space<semaphore_mem>>) src(%dma_wait3A_765 : memref<32x128xf32, #tpu.memory_space<vmem>>) dst(%dma_wait3A_761 : memref<32x128xf32, #tpu.memory_space<hbm>>)
    %dma_wait3A_766 = arith.constant 15 : i32
    %dma_wait3A_767 = arith.constant 0 : i32
    %dma_wait3A_768 = arith.constant 0 : i32
    %dma_wait3A_769 = tpu.memref_slice %arg7[%dma_wait3A_766, %dma_wait3A_767, %dma_wait3A_768] : memref<16x32x128xf32, #tpu.memory_space<vmem>> -> memref<1x32x128xf32, #tpu.memory_space<vmem>>
    %dma_wait3A_770 = tpu.memref_squeeze %dma_wait3A_769 : memref<1x32x128xf32, #tpu.memory_space<vmem>> -> memref<32x128xf32, #tpu.memory_space<vmem>>
    %dma_wait3A_771 = arith.constant 0 : i32
    %dma_wait3A_772 = tpu.memref_slice %arg4[%add3A_557, %dma_wait3A_771] : memref<16384x128xf32, #tpu.memory_space<hbm>> -> memref<32x128xf32, #tpu.memory_space<hbm>>
    %dma_wait3A_773 = arith.constant 0 : i32
    %dma_wait3A_774 = tpu.memref_slice %arg4[%add3A_557, %dma_wait3A_773] : memref<16384x128xf32, #tpu.memory_space<hbm>> -> memref<32x128xf32, #tpu.memory_space<hbm>>
    %dma_wait3A_775 = arith.constant 0 : i32
    %dma_wait3A_776 = arith.constant 0 : i32
    %dma_wait3A_777 = tpu.memref_slice %arg7[%dma_wait3A_766, %dma_wait3A_775, %dma_wait3A_776] : memref<16x32x128xf32, #tpu.memory_space<vmem>> -> memref<1x32x128xf32, #tpu.memory_space<vmem>>
    %dma_wait3A_778 = tpu.memref_squeeze %dma_wait3A_777 : memref<1x32x128xf32, #tpu.memory_space<vmem>> -> memref<32x128xf32, #tpu.memory_space<vmem>>
    tpu.wait_dma2 semaphore(%arg9 : memref<!tpu.dma_semaphore, #tpu.memory_space<semaphore_mem>>) src(%dma_wait3A_778 : memref<32x128xf32, #tpu.memory_space<vmem>>) dst(%dma_wait3A_774 : memref<32x128xf32, #tpu.memory_space<hbm>>)
    return
  }
}

</mosaic_0001>

<sc_bundles>
// kernel: _gather.3.cloned.1.call-start
scs
__scs_entry_jumppad:
0x0: {  	(pc) =	sbr.rel $0x88, $3  }
0x1: {  	(tag) =	ssettag $0x0;
	lr =	simm.s32 $0x1  }
0x2: {  	[smem:$0x3F9F] =	sst lr;
	_ =	strace $0xD0000000  }
0x3: {  	_ = 	snop  }
0x4: {  	_ = 	snop  }
0x5: {  	_ = 	snop  }
0x6: {  	_ = 	snop  }
0x7: {  	_ = 	snop  }
__scs_overlays_trampoline_lowered:
0x8: {  	[smem:$0x3FAE] =	sst s0  }
0x9: {  	[smem:$0x3FAF] =	sst s1  }
0xa: {  	[smem:$0x3FB0] =	sst s2  }
0xb: {  	[smem:$0x3FB1] =	sst s3  }
0xc: {  	[smem:$0x3FB2] =	sst s4  }
0xd: {  	[smem:$0x3FB3] =	sst s5  }
0xe: {  	[smem:$0x3FB4] =	sst s6  }
0xf: {  	[smem:$0x3FB5] =	sst s7  }
0x10: {  	[smem:$0x3FB6] =	sst s8  }
0x11: {  	[smem:$0x3FB7] =	sst s9;
	s0 =	simm.s32 @!p0 $0x0  }
0x12: {  	s1 =	sld [smem:$0x3F9D];
	s0 =	simm.s32 @p0 $0x1  }
0x13: {  	[smem:$0x3FB8] =	sst s0;
	s0 =	simm.s32 @!p1 $0x0  }
0x14: {  	s2 =	sld [smem:$0x3F9C];
	s0 =	simm.s32 @p1 $0x1  }
0x15: {  	[smem:$0x3FB9] =	sst s0;
	s0 =	simm.s32 @!p2 $0x0  }
0x16: {  	s3 =	sld [smem:$0x3FDB];
	s0 =	simm.s32 @p2 $0x1  }
0x17: {  	s4 =	simm.s32 $0x1BF5;
	[smem:$0x3FBB] =	sst s0  }
0x18: {  	s0 =	sld [smem:$0x3F9E];
	_ =	swait.ge [sflag:s4], $0x0  }
0x19: {  	s7 =	sld [smem:$0x3F9F]  }
0x1a: {  	s8 =	sadd.s32 $0xFFFFE003, lr  }
0x1b: {  	s9 =	sadd.s32 $0xFFFFFEF7, lr;
	s5 =	simm.s32 $0xFFFFFFFF;
	p2 =	slt.u32 s8, $0xFFFFF086  }
0x1c: {  	p1 =	slt.u32 s9, $0xF7A;
	s5 =	simm.s32 @!p2 $0x0  }
0x1d: {  	s5 =	simm.s32 @p1 $0x1;
	p0 =	seq.s32 s7, s2  }
0x1e: {  	s7 =	smul.u32 @!p0 $0xF7A, s2;
	p2 =	seq.s32 @!p0 s5, $0x0  }
0x1f: {  	s9 =	smul.u32 $0xF7A, s1;
	s8 =	simm.s32 @!p0 $0x1BF5;
	p2 =	por !p2, p0  }
0x20: {  	[sflag:s8] =	ssyncset.s32 @!p0 $0xFFFFF086;
	s6 =	sadd.s32 @!p0 s3, s7;
	s7 =	simm.s32 @!p0 $0x108  }
0x21: {  	s3 =	sadd.s32 s3, s9;
	s6 =	sadd.s32 @!p0 $0x88, s6;
	s7 =	simm.s32 @p2 $0x1082  }
0x22: {  	[simem:s7], [sflag:s8] =	dma.local @!p0 [hbm:s6], $0xF7A  }
0x23: {  	s9 =	sor.u32 $0xD0000000, s2;
	s6 =	simm.s32 $0x108;
	_ =	swait.ge @!p0 [sflag:s8], $0x0  }
0x24: {  	s3 =	sadd.s32 $0x88, s3;
	s6 =	simm.s32 @!p1 $0x1082;
	[sflag:s4] =	ssyncset.s32 $0xFFFFF086  }
0x25: {  	[simem:s6], [sflag:s4] =	dma.local [hbm:s3], $0xF7A  }
0x26: {  	[smem:$0x3F9F] =	sst s1;
	(tag) =	ssettag s2;
	_ =	strace s9  }
0x27: {  	s1 =	sld [smem:$0x3FAF]  }
0x28: {  	s2 =	sld [smem:$0x3FB0]  }
0x29: {  	s4 =	sld [smem:$0x3FB2]  }
0x2a: {  	p0 =	seq.s32 s5, $0x0;
	s5 =	sld [smem:$0x3FB3]  }
0x2b: {  	s6 =	sld [smem:$0x3FB4]  }
0x2c: {  	s7 =	sld [smem:$0x3FB5]  }
0x2d: {  	s3 =	simm.s32 $0x108;
	s8 =	sld [smem:$0x3FB6]  }
0x2e: {  	s3 =	simm.s32 @!p0 $0x1082;
	s9 =	sld [smem:$0x3FB7]  }
0x2f: {  	lr =	sadd.s32 s0, s3;
	s0 =	sld [smem:$0x3FAE]  }
0x30: {  	s3 =	sld [smem:$0x3FB1]  }
0x31: {  	[smem:$0x3FBA] =	sst s10  }
0x32: {  	s10 =	sld [smem:$0x3FB8];
	_ =	sdelay $0x3  }
0x33: {  	p0 =	seq.s32 s10, $0x1;
	s10 =	sld [smem:$0x3FBA];
	_ =	sdelay $0x3  }
0x34: {  	[smem:$0x3FBA] =	sst s10  }
0x35: {  	s10 =	sld [smem:$0x3FB9];
	_ =	sdelay $0x3  }
0x36: {  	p1 =	seq.s32 s10, $0x1;
	s10 =	sld [smem:$0x3FBA];
	_ =	sdelay $0x3  }
0x37: {  	[smem:$0x3FBA] =	sst s10  }
0x38: {  	s10 =	sld [smem:$0x3FBB]  }
0x39: {  	_ = 	snop;
	(pc) =	sbr.ind lr, $3  }
0x3a: {  	_ = 	snop  }
0x3b: {  	_ = 	snop  }
0x3c: {  	p2 =	seq.s32 s10, $0x1;
	s10 =	sld [smem:$0x3FBA]  }
0x3d: {  	_ =	shalt  }
0x3e: {  	_ =	shalt  }
0x3f: {  	_ =	shalt  }
0x40: {  	_ =	shalt  }
0x41: {  	_ =	shalt  }
0x42: {  	_ =	shalt  }
0x43: {  	_ =	shalt  }
0x44: {  	_ =	shalt  }
0x45: {  	_ =	shalt  }
0x46: {  	_ =	shalt  }
0x47: {  	_ =	shalt  }
0x48: {  	_ =	shalt  }
0x49: {  	_ =	shalt  }
0x4a: {  	_ =	shalt  }
0x4b: {  	_ =	shalt  }
0x4c: {  	_ =	shalt  }
0x4d: {  	_ =	shalt  }
0x4e: {  	_ =	shalt  }
0x4f: {  	_ =	shalt  }
0x50: {  	_ =	shalt  }
0x51: {  	_ =	shalt  }
0x52: {  	_ =	shalt  }
0x53: {  	_ =	shalt  }
0x54: {  	_ =	shalt  }
0x55: {  	_ =	shalt  }
0x56: {  	_ =	shalt  }
0x57: {  	_ =	shalt  }
0x58: {  	_ =	shalt  }
0x59: {  	_ =	shalt  }
0x5a: {  	_ =	shalt  }
0x5b: {  	_ =	shalt  }
0x5c: {  	_ =	shalt  }
0x5d: {  	_ =	shalt  }
0x5e: {  	_ =	shalt  }
0x5f: {  	_ =	shalt  }
0x60: {  	_ =	shalt  }
0x61: {  	_ =	shalt  }
0x62: {  	_ =	shalt  }
0x63: {  	_ =	shalt  }
0x64: {  	_ =	shalt  }
0x65: {  	_ =	shalt  }
0x66: {  	_ =	shalt  }
0x67: {  	_ =	shalt  }
0x68: {  	_ =	shalt  }
0x69: {  	_ =	shalt  }
0x6a: {  	_ =	shalt  }
0x6b: {  	_ =	shalt  }
0x6c: {  	_ =	shalt  }
0x6d: {  	_ =	shalt  }
0x6e: {  	_ =	shalt  }
0x6f: {  	_ =	shalt  }
0x70: {  	_ =	shalt  }
0x71: {  	_ =	shalt  }
0x72: {  	_ =	shalt  }
0x73: {  	_ =	shalt  }
0x74: {  	_ =	shalt  }
0x75: {  	_ =	shalt  }
0x76: {  	_ =	shalt  }
0x77: {  	_ =	shalt  }
0x78: {  	_ =	shalt  }
0x79: {  	_ =	shalt  }
0x7a: {  	_ =	shalt  }
0x7b: {  	_ =	shalt  }
0x7c: {  	_ =	shalt  }
0x7d: {  	_ =	shalt  }
0x7e: {  	_ =	shalt  }
0x7f: {  	_ =	shalt  }
0x80: {  	_ =	shalt  }
0x81: {  	_ =	shalt  }
0x82: {  	_ =	shalt  }
0x83: {  	_ =	shalt  }
0x84: {  	_ =	shalt  }
0x85: {  	_ =	shalt  }
0x86: {  	_ =	shalt  }
0x87: {  	_ =	shalt  }
.Lfunc_end0:
.L_simem_size_0:
called_computation_lowered:
.L_overlay_start_0:
0x88: {  	s2 =	sld [smem:$0x3FD9]  }
0x89: {  	s3 =	sld [smem:$0x3FFE];
	_ =	sdelay $0x1  }
0x8a: {  	s1 =	srdreg.scid  }
0x8b: {  	s0 =	sand.u32 $0x1, s1  }
0x8c: {  	s18 =	sshll.u32 s0, $0xA;
	s2 =	sadd.s32 s3, s2  }
0x8d: {  	s2 =	sadd.s32 s2, s18  }
0x8e: {  	[smem:$0x3FC6] =	sst s2  }
0x8f: {  	_ = 	snop  }
0x90: {  	s2 =	sld [smem:$0x3FC9]  }
0x91: {  	s19 =	sld [smem:$0x3FC8]  }
0x92: {  	s4 =	sld [smem:$0x3FD0];
	(tm) =	ssettm $0x1  }
0x93: {  	s5 =	sld [smem:$0x3FFB];
	_ =	sdelay $0x3  }
0x94: {  	_ =	strace s5  }
0x95: {  	s5 =	sld [smem:$0x3FFC];
	_ =	sdelay $0x3  }
0x96: {  	_ =	strace s5  }
0x97: {  	s5 =	sld [smem:$0x3FFD];
	_ =	sdelay $0x3  }
0x98: {  	_ =	strace s5  }
0x99: {  	_ =	strace $0x8FFFFFFF  }
0x9a: {  	s20 =	sld [smem:$0x3FDB];
	_ =	sdelay $0x1  }
0x9b: {  	s6 =	simm.s32 $_scs_section_size  }
0x9c: {  	s7 =	simm.s32 $_size__tile_overlayer_lowered;
	s8 =	simm.s32 $_tile_overlayer_lowered  }
0x9d: {  	s23 =	simm.s32 $0x1BFF;
	s22 =	sshll.u32 s8, $0x1;
	s5 =	sadd.s32 s6, s20  }
0x9e: {  	s9 =	simm.s32 $0x0;
	s21 =	sshll.u32 s7, $0x1;
	s7 =	sadd.s32 s22, s5  }
0x9f: {  	[timem:s9], [sflag:s23] =	dma.local [hbm:s7], s21  }
0xa0: {  	_ =	swait.ge [sflag:s23], s21  }
0xa1: {  	s6 =	ssub.s32 $0x0, s21;
	[sflag:s23] =	ssyncset.done $0x0  }
0xa2: {  	[sflag:s23] =	ssyncadd.s32 s6;
	_ =	sdelay $0x1  }
0xa3: {  	s24 =	simm.s32 $0x1B8B  }
0xa4: {  	_ =	swait.ge [sflag:s24], $0x1  }
0xa5: {  	[sflag:s24] =	ssyncset.done $0x0  }
0xa6: {  	s25 =	simm.s32 $0x1B8E;
	[sflag:s24] =	ssyncadd.s32 $0xFFFFFFFF  }
0xa7: {  	s26 =	simm.s32 $execute0_lowered;
	[smem:$0x3FD2] =	sst s25  }
0xa8: {  	s6 =	sshll.u32 s26, $0x1;
	_ =	strace $0x80000046;
	[dreg:$0x1] =	wrdreg $0xFFFFFFFF  }
0xa9: {  	s28 =	simm.s32 $_size_execute0_lowered;
	s5 =	sadd.s32 s5, s6;
	[dreg:$0x0] =	wrdreg $0x0  }
0xaa: {  	s6 =	sshll.u32 s28, $0x1;
	[dreg:$0x2] =	wrdreg s5  }
0xab: {  	[dreg:$0x3] =	wrdreg s6  }
0xac: {  	[dreg:$0x4] =	wrdreg $0xC0  }
0xad: {  	_ =	task [dreg:s9], $0x5FFFF  }
0xae: {  	[dreg:$0x1] =	wrdreg $0xFFFFFFFF  }
0xaf: {  	[dreg:$0x0] =	wrdreg $0x60  }
0xb0: {  	[dreg:$0x2] =	wrdreg s2  }
0xb1: {  	[dreg:$0x3] =	wrdreg s19  }
0xb2: {  	[dreg:$0x4] =	wrdreg s4  }
0xb3: {  	[dreg:$0x5] =	wrdreg $0x0  }
0xb4: {  	[dreg:$0x6] =	wrdreg $0x9  }
0xb5: {  	_ =	task.clear_ibuf [dreg:s9], $0x7FFFF;
	_ =	strace $0x90000046  }
0xb6: {  	s29 =	simm.s32 $0x9;
	_ =	strace $0x80000048  }
0xb7: {  	_ =	swait.ge [sflag:s29], $0x1  }
0xb8: {  	[sflag:s29] =	ssyncadd.s32 $0xFFFFFFFF  }
0xb9: {  	_ =	strace $0x90000048  }
0xba: {  	_ =	sfence  }
0xbb: {  	s30 =	sld [smem:$0x0];
	_ =	sdelay $0x2  }
0xbc: {  	s31 =	sshll.u32 s1, $0xD;
	s1 =	sshrl.u32 s1, $0x2  }
0xbd: {  	s3 =	sand.u32 $0x4000, s31;
	s1 =	sadd.s32 s1, s30  }
0xbe: {  	s0 =	sor.u32 s3, s0;
	s1 =	sshll.u32 s1, $0x11  }
0xbf: {  	s0 =	sor.u32 s1, s0  }
0xc0: {  	s0 =	sadd.s32 $0x8F2B, s0  }
0xc1: {  	[sflag:s0] =	ssyncadd.remote.s32 $0x1  }
0xc2: {  	_ =	sfence.sel $0xFFFF  }
0xc3: {  	[dreg:$0x0] =	wrdreg $0xFFFFFFFF;
	(pc) =	sbr.abs _section_cstart, $3  }
0xc4: {  	[dreg:$0x1] =	wrdreg $0xFFFFFFFF  }
0xc5: {  	_ =	task.clear_ibuf [dreg:s9], $0x2FFFF;
	_ =	strace $0x9FFFFFFF  }
0xc6: {  	(tm) =	ssettm $0x7FFFFFFF  }
0xc7: {  	_ =	shalt  }
tec
execute0_lowered:
.L_overlay_start_1:
0x0: {  	(tag) =	ssettag $0x1  }
0x1: {  	s4 =	rddreg [dreg:$0x0]  }
0x2: {  	s5 =	rddreg [dreg:$0x1]  }
0x3: {  	s6 =	rddreg [dreg:$0x2]  }
0x4: {  	s1 =	srdreg.scid;
	s2 =	rddreg [dreg:$0x3]  }
0x5: {  	s0 =	stileid.u32;
	s3 =	simm.s32 $0x0;
	s12 =	simm.s32 $0x1F60  }
0x6: {  	s13 =	simm.s32 $0x1F80;
	s30 =	sand.u32 $0x1, s1;
	s7 =	sshll.u32 s0, $0xA  }
0x7: {  	s9 =	smul.u32 $0x38, s0;
	[smem:$0x7FF] =	sst s3;
	s8 =	sshll.u32 s30, $0x9  }
0x8: {  	_ =	strace $0x80000047;
	s16 =	sadd.s32 s4, s7;
	[dreg:$0x19] =	wrdreg s12  }
0x9: {  	[dreg:$0x1a] =	wrdreg s13;
	s8 =	sor.u32 s8, s7;
	s9 =	sadd.s32 $0x68, s9  }
0xa: {  	[dreg:$0x7] =	wrdreg s16;
	s16 =	simm.s32 $0x1FE0;
	s10 =	sshrl.u32 s8, $0x3  }
0xb: {  	s14 =	sshll.u32 s9, $0x4;
	[dreg:$0x1d] =	wrdreg s16;
	s5 =	sadd.s32 s5, s10  }
0xc: {  	s8 =	sshll.u32 s8, $0x4;
	s15 =	sadd.s32 s4, s14;
	[dreg:$0x5] =	wrdreg s5  }
0xd: {  	s4 =	sadd.s32 s6, s8;
	s14 =	simm.s32 $0x1FA0;
	[dreg:$0x6] =	wrdreg s15  }
0xe: {  	s17 =	sadd.s32 $0x200, s4;
	[dreg:$0x1b] =	wrdreg s14  }
0xf: {  	s18 =	sadd.s32 $0x400, s4;
	[dreg:$0x8] =	wrdreg s17  }
0x10: {  	s19 =	sadd.s32 $0x600, s4;
	[dreg:$0x9] =	wrdreg s18  }
0x11: {  	s20 =	sadd.s32 $0x800, s4;
	[dreg:$0xa] =	wrdreg s19  }
0x12: {  	s21 =	sadd.s32 $0xA00, s4;
	[dreg:$0xb] =	wrdreg s20  }
0x13: {  	s22 =	sadd.s32 $0xC00, s4;
	[dreg:$0xc] =	wrdreg s21  }
0x14: {  	s23 =	sadd.s32 $0xE00, s4;
	[dreg:$0xd] =	wrdreg s22  }
0x15: {  	s24 =	sadd.s32 $0x1000, s4;
	[dreg:$0xe] =	wrdreg s23  }
0x16: {  	s25 =	sadd.s32 $0x1200, s4;
	[dreg:$0xf] =	wrdreg s24  }
0x17: {  	s26 =	sadd.s32 $0x1400, s4;
	[dreg:$0x10] =	wrdreg s25  }
0x18: {  	s31 =	sadd.s32 $0x1600, s4;
	[dreg:$0x11] =	wrdreg s26  }
0x19: {  	s7 =	sadd.s32 $0x1800, s4;
	[dreg:$0x12] =	wrdreg s31  }
0x1a: {  	p0 =	sgt.u32 s0, $0xC;
	s8 =	sadd.s32 $0x1A00, s4;
	[dreg:$0x13] =	wrdreg s7  }
0x1b: {  	s1 =	sshll.u32 s9, $0x7;
	s10 =	sadd.s32 $0x1C00, s4;
	[dreg:$0x14] =	wrdreg s8  }
0x1c: {  	s6 =	sadd.s32 s1, s2;
	s11 =	sadd.s32 $0x1E00, s4;
	[dreg:$0x15] =	wrdreg s10  }
0x1d: {  	s5 =	sshrl.u32 @p0 s6, $0x3;
	[dreg:$0x16] =	wrdreg s11  }
0x1e: {  	s15 =	simm.s32 $0x1FC0;
	[dreg:$0x17] =	wrdreg s5  }
0x1f: {  	[dreg:$0x1c] =	wrdreg s15  }
0x20: {  	s26 =	rddreg [dreg:$0x5]  }
0x21: {  	s17 =	simm.s32 $0x2000;
	s10 =	rddreg [dreg:$0x6]  }
0x22: {  	s18 =	simm.s32 $0x2020;
	[dreg:$0x1e] =	wrdreg s17  }
0x23: {  	s19 =	simm.s32 $0x2040;
	[dreg:$0x1f] =	wrdreg s18  }
0x24: {  	s20 =	simm.s32 $0x2060;
	[smem:$0x7F6] =	sst s19  }
0x25: {  	s21 =	simm.s32 $0x2080;
	[smem:$0x7F7] =	sst s20  }
0x26: {  	s22 =	simm.s32 $0x20A0;
	[smem:$0x7F8] =	sst s21  }
0x27: {  	s23 =	simm.s32 $0x20C0;
	[smem:$0x7F9] =	sst s22  }
0x28: {  	s24 =	simm.s32 $0x20E0;
	[smem:$0x7FA] =	sst s23  }
0x29: {  	s25 =	simm.s32 $0x2100;
	[smem:$0x7FB] =	sst s24  }
0x2a: {  	s9 =	sshll.u32 s0, $0xD;
	[smem:$0x7FC] =	sst s25  }
0x2b: {  	s7 =	sadd.s32 s9, s2;
	s31 =	simm.s32 $0x2120;
	s8 =	rddreg [dreg:$0x17]  }
0x2c: {  	s5 =	sshrl.u32 @!p0 s7, $0x3;
	[smem:$0x7FD] =	sst s31  }
0x2d: {  	s7 =	sshll.u32 @p0 s0, $0x6;
	[dreg:$0x18] =	wrdreg s5  }
0x2e: {  	s5 =	simm.s32 $0x1F40;
	s6 =	sor.u32 @p0 $0x1C03, s7;
	s7 =	simm.s32 @p0 $0x3  }
0x2f: {  	[tilespmem:s5], [sflag:$0x1] =	stream.linear.gather [hbm4b:s26+s3], $0x200, $0x38;
	[tilespmem:$0x12140] =	vst v63  }
0x30: {  	[spmem:s8], [sflag:s6] =	dma.local @p0 [hbm:s10], $0x380  }
0x31: {  	s9 =	simm.s32 @!p0 $0x3;
	_ =	swait.ge @p0 [sflag:s7], $0x380  }
0x32: {  	s8 =	sshll.u32 @!p0 s0, $0x6;
	s10 =	rddreg [dreg:$0x7];
	[sflag:s7] =	ssyncset.done @p0 $0x0  }
0x33: {  	s8 =	sor.u32 @!p0 $0x1C03, s8;
	s11 =	rddreg [dreg:$0x18];
	[sflag:s7] =	ssyncadd.s32 @p0 $0xFFFFFC80  }
0x34: {  	[spmem:s11], [sflag:s8] =	dma.local @!p0 [hbm:s10], $0x400  }
0x35: {  	_ =	swait.ge @!p0 [sflag:s9], $0x400  }
0x36: {  	[sflag:s9] =	ssyncset.done @!p0 $0x0  }
0x37: {  	s10 =	simm.s32 $0x1;
	[sflag:s9] =	ssyncadd.s32 @!p0 $0xFFFFFC00  }
0x38: {  	_ =	swait.ge [sflag:s10], $0x200  }
0x39: {  	[sflag:s10] =	ssyncset.done $0x0  }
0x3a: {  	[sflag:s10] =	ssyncadd.s32 $0xFFFFFE00  }
0x3b: {  	[bflag:$0x0] =	sbarrier.arrive $0xFFFF  }
0x3c: {  	s12 =	simm.s32 $0x2140;
	s11 =	simm.s32 $0x20;
	s14 =	rddreg [dreg:$0x19]  }
0x3d: {  	[tilespmem:s12], [sflag:$0x1] =	stream.indirect.gather [spmem:s2], $0x80, s5, s11, $0xb8;
	[tilespmem:$0x12140] =	vst v63  }
0x3e: {  	s13 =	simm.s32 $0x3140;
	s15 =	rddreg [dreg:$0x1a]  }
0x3f: {  	[tilespmem:s13], [sflag:$0x1] =	stream.indirect.gather [spmem:s2], $0x80, s14, s11, $0xb8;
	[tilespmem:$0x12140] =	vst v63  }
0x40: {  	s16 =	rddreg [dreg:$0x1b];
	s14 =	simm.s32 $0x4140  }
0x41: {  	[tilespmem:s14], [sflag:$0x1] =	stream.indirect.gather [spmem:s2], $0x80, s15, s11, $0xb8;
	[tilespmem:$0x12140] =	vst v63  }
0x42: {  	s17 =	rddreg [dreg:$0x1c];
	s15 =	simm.s32 $0x5140  }
0x43: {  	[tilespmem:s15], [sflag:$0x1] =	stream.indirect.gather [spmem:s2], $0x80, s16, s11, $0xb8;
	[tilespmem:$0x12140] =	vst v63  }
0x44: {  	s18 =	rddreg [dreg:$0x1d];
	s16 =	simm.s32 $0x6140  }
0x45: {  	[tilespmem:s16], [sflag:$0x1] =	stream.indirect.gather [spmem:s2], $0x80, s17, s11, $0xb8;
	[tilespmem:$0x12140] =	vst v63  }
0x46: {  	s19 =	rddreg [dreg:$0x1e];
	s17 =	simm.s32 $0x7140  }
0x47: {  	[tilespmem:s17], [sflag:$0x1] =	stream.indirect.gather [spmem:s2], $0x80, s18, s11, $0xb8;
	[tilespmem:$0x12140] =	vst v63  }
0x48: {  	s20 =	rddreg [dreg:$0x1f];
	s18 =	simm.s32 $0x8140  }
0x49: {  	[tilespmem:s18], [sflag:$0x1] =	stream.indirect.gather [spmem:s2], $0x80, s19, s11, $0xb8;
	[tilespmem:$0x12140] =	vst v63  }
0x4a: {  	s21 =	sld [smem:$0x7F6];
	s19 =	simm.s32 $0x9140  }
0x4b: {  	[tilespmem:s19], [sflag:$0x1] =	stream.indirect.gather [spmem:s2], $0x80, s20, s11, $0xb8;
	[tilespmem:$0x12140] =	vst v63  }
0x4c: {  	s22 =	sld [smem:$0x7F7];
	s20 =	simm.s32 $0xA140  }
0x4d: {  	[tilespmem:s20], [sflag:$0x1] =	stream.indirect.gather [spmem:s2], $0x80, s21, s11, $0xb8;
	[tilespmem:$0x12140] =	vst v63  }
0x4e: {  	s23 =	sld [smem:$0x7F8];
	s21 =	simm.s32 $0xB140  }
0x4f: {  	[tilespmem:s21], [sflag:$0x1] =	stream.indirect.gather [spmem:s2], $0x80, s22, s11, $0xb8;
	[tilespmem:$0x12140] =	vst v63  }
0x50: {  	s24 =	sld [smem:$0x7F9];
	s22 =	simm.s32 $0xC140  }
0x51: {  	[tilespmem:s22], [sflag:$0x1] =	stream.indirect.gather [spmem:s2], $0x80, s23, s11, $0xb8;
	[tilespmem:$0x12140] =	vst v63  }
0x52: {  	s25 =	sld [smem:$0x7FA];
	s23 =	simm.s32 $0xD140  }
0x53: {  	[tilespmem:s23], [sflag:$0x1] =	stream.indirect.gather [spmem:s2], $0x80, s24, s11, $0xb8;
	[tilespmem:$0x12140] =	vst v63  }
0x54: {  	s26 =	sld [smem:$0x7FB];
	s24 =	simm.s32 $0xE140  }
0x55: {  	[tilespmem:s24], [sflag:$0x1] =	stream.indirect.gather [spmem:s2], $0x80, s25, s11, $0xb8;
	[tilespmem:$0x12140] =	vst v63  }
0x56: {  	s28 =	sld [smem:$0x7FC];
	s25 =	simm.s32 $0xF140  }
0x57: {  	[tilespmem:s25], [sflag:$0x1] =	stream.indirect.gather [spmem:s2], $0x80, s26, s11, $0xb8;
	[tilespmem:$0x12140] =	vst v63  }
0x58: {  	s29 =	sld [smem:$0x7FD];
	s26 =	simm.s32 $0x10140  }
0x59: {  	[tilespmem:s26], [sflag:$0x1] =	stream.indirect.gather [spmem:s2], $0x80, s28, s11, $0xb8;
	[tilespmem:$0x12140] =	vst v63  }
0x5a: {  	s28 =	simm.s32 $0x11140  }
0x5b: {  	[tilespmem:s28], [sflag:$0x1] =	stream.indirect.gather [spmem:s2], $0x80, s29, s11, $0xb8;
	[tilespmem:$0x12140] =	vst v63  }
0x5c: {  	_ =	swait.ge [sflag:s10], $0x1000  }
0x5d: {  	[sflag:s10] =	ssyncset.done $0x0  }
0x5e: {  	[sflag:s10] =	ssyncadd.s32 $0xFFFFF000  }
0x5f: {  	[hbm4b:s4+s3] =	stream.linear.scatter [tilespmem:s12], [sflag:$0x2], $0x1000, $0x38;
	[tilespmem:$0x12140] =	vst v63  }
0x60: {  	_ =	swait.ge [sflag:s10], $0x1000  }
0x61: {  	[sflag:s10] =	ssyncset.done $0x0  }
0x62: {  	s29 =	rddreg [dreg:$0x8];
	[sflag:s10] =	ssyncadd.s32 $0xFFFFF000  }
0x63: {  	[hbm4b:s29+s3] =	stream.linear.scatter [tilespmem:s13], [sflag:$0x2], $0x1000, $0x38;
	[tilespmem:$0x12140] =	vst v63  }
0x64: {  	_ =	swait.ge [sflag:s10], $0x1000  }
0x65: {  	[sflag:s10] =	ssyncset.done $0x0  }
0x66: {  	s29 =	rddreg [dreg:$0x9];
	[sflag:s10] =	ssyncadd.s32 $0xFFFFF000  }
0x67: {  	[hbm4b:s29+s3] =	stream.linear.scatter [tilespmem:s14], [sflag:$0x2], $0x1000, $0x38;
	[tilespmem:$0x12140] =	vst v63  }
0x68: {  	_ =	swait.ge [sflag:s10], $0x1000  }
0x69: {  	[sflag:s10] =	ssyncset.done $0x0  }
0x6a: {  	s29 =	rddreg [dreg:$0xa];
	[sflag:s10] =	ssyncadd.s32 $0xFFFFF000  }
0x6b: {  	[hbm4b:s29+s3] =	stream.linear.scatter [tilespmem:s15], [sflag:$0x2], $0x1000, $0x38;
	[tilespmem:$0x12140] =	vst v63  }
0x6c: {  	_ =	swait.ge [sflag:s10], $0x1000  }
0x6d: {  	[sflag:s10] =	ssyncset.done $0x0  }
0x6e: {  	s29 =	rddreg [dreg:$0xb];
	[sflag:s10] =	ssyncadd.s32 $0xFFFFF000  }
0x6f: {  	[hbm4b:s29+s3] =	stream.linear.scatter [tilespmem:s16], [sflag:$0x2], $0x1000, $0x38;
	[tilespmem:$0x12140] =	vst v63  }
0x70: {  	_ =	swait.ge [sflag:s10], $0x1000  }
0x71: {  	[sflag:s10] =	ssyncset.done $0x0  }
0x72: {  	s29 =	rddreg [dreg:$0xc];
	[sflag:s10] =	ssyncadd.s32 $0xFFFFF000  }
0x73: {  	[hbm4b:s29+s3] =	stream.linear.scatter [tilespmem:s17], [sflag:$0x2], $0x1000, $0x38;
	[tilespmem:$0x12140] =	vst v63  }
0x74: {  	_ =	swait.ge [sflag:s10], $0x1000  }
0x75: {  	[sflag:s10] =	ssyncset.done $0x0  }
0x76: {  	s29 =	rddreg [dreg:$0xd];
	[sflag:s10] =	ssyncadd.s32 $0xFFFFF000  }
0x77: {  	[hbm4b:s29+s3] =	stream.linear.scatter [tilespmem:s18], [sflag:$0x2], $0x1000, $0x38;
	[tilespmem:$0x12140] =	vst v63  }
0x78: {  	_ =	swait.ge [sflag:s10], $0x1000  }
0x79: {  	[sflag:s10] =	ssyncset.done $0x0  }
0x7a: {  	s29 =	rddreg [dreg:$0xe];
	[sflag:s10] =	ssyncadd.s32 $0xFFFFF000  }
0x7b: {  	[hbm4b:s29+s3] =	stream.linear.scatter [tilespmem:s19], [sflag:$0x2], $0x1000, $0x38;
	[tilespmem:$0x12140] =	vst v63  }
0x7c: {  	_ =	swait.ge [sflag:s10], $0x1000  }
0x7d: {  	[sflag:s10] =	ssyncset.done $0x0  }
0x7e: {  	s29 =	rddreg [dreg:$0xf];
	[sflag:s10] =	ssyncadd.s32 $0xFFFFF000  }
0x7f: {  	[hbm4b:s29+s3] =	stream.linear.scatter [tilespmem:s20], [sflag:$0x2], $0x1000, $0x38;
	[tilespmem:$0x12140] =	vst v63  }
0x80: {  	_ =	swait.ge [sflag:s10], $0x1000  }
0x81: {  	[sflag:s10] =	ssyncset.done $0x0  }
0x82: {  	s29 =	rddreg [dreg:$0x10];
	[sflag:s10] =	ssyncadd.s32 $0xFFFFF000  }
0x83: {  	[hbm4b:s29+s3] =	stream.linear.scatter [tilespmem:s21], [sflag:$0x2], $0x1000, $0x38;
	[tilespmem:$0x12140] =	vst v63  }
0x84: {  	_ =	swait.ge [sflag:s10], $0x1000  }
0x85: {  	[sflag:s10] =	ssyncset.done $0x0  }
0x86: {  	s29 =	rddreg [dreg:$0x11];
	[sflag:s10] =	ssyncadd.s32 $0xFFFFF000  }
0x87: {  	[hbm4b:s29+s3] =	stream.linear.scatter [tilespmem:s22], [sflag:$0x2], $0x1000, $0x38;
	[tilespmem:$0x12140] =	vst v63  }
0x88: {  	_ =	swait.ge [sflag:s10], $0x1000  }
0x89: {  	[sflag:s10] =	ssyncset.done $0x0  }
0x8a: {  	s29 =	rddreg [dreg:$0x12];
	[sflag:s10] =	ssyncadd.s32 $0xFFFFF000  }
0x8b: {  	[hbm4b:s29+s3] =	stream.linear.scatter [tilespmem:s23], [sflag:$0x2], $0x1000, $0x38;
	[tilespmem:$0x12140] =	vst v63  }
0x8c: {  	_ =	swait.ge [sflag:s10], $0x1000  }
0x8d: {  	[sflag:s10] =	ssyncset.done $0x0  }
0x8e: {  	s29 =	rddreg [dreg:$0x13];
	[sflag:s10] =	ssyncadd.s32 $0xFFFFF000  }
0x8f: {  	[hbm4b:s29+s3] =	stream.linear.scatter [tilespmem:s24], [sflag:$0x2], $0x1000, $0x38;
	[tilespmem:$0x12140] =	vst v63  }
0x90: {  	_ =	swait.ge [sflag:s10], $0x1000  }
0x91: {  	[sflag:s10] =	ssyncset.done $0x0  }
0x92: {  	s29 =	rddreg [dreg:$0x14];
	[sflag:s10] =	ssyncadd.s32 $0xFFFFF000  }
0x93: {  	[hbm4b:s29+s3] =	stream.linear.scatter [tilespmem:s25], [sflag:$0x2], $0x1000, $0x38;
	[tilespmem:$0x12140] =	vst v63  }
0x94: {  	_ =	swait.ge [sflag:s10], $0x1000  }
0x95: {  	[sflag:s10] =	ssyncset.done $0x0  }
0x96: {  	s29 =	rddreg [dreg:$0x15];
	[sflag:s10] =	ssyncadd.s32 $0xFFFFF000  }
0x97: {  	[hbm4b:s29+s3] =	stream.linear.scatter [tilespmem:s26], [sflag:$0x2], $0x1000, $0x38;
	[tilespmem:$0x12140] =	vst v63  }
0x98: {  	_ =	swait.ge [sflag:s10], $0x1000  }
0x99: {  	[sflag:s10] =	ssyncset.done $0x0  }
0x9a: {  	s29 =	rddreg [dreg:$0x16];
	[sflag:s10] =	ssyncadd.s32 $0xFFFFF000  }
0x9b: {  	[hbm4b:s29+s3] =	stream.linear.scatter [tilespmem:s28], [sflag:$0x2], $0x1000, $0x38;
	[tilespmem:$0x12140] =	vst v63  }
0x9c: {  	s29 =	simm.s32 $0x2  }
0x9d: {  	_ =	swait.ge [sflag:s29], $0x1000  }
0x9e: {  	[sflag:s29] =	ssyncset.done $0x0  }
0x9f: {  	[sflag:s29] =	ssyncadd.s32 $0xFFFFF000  }
0xa0: {  	_ =	swait.ge [sflag:s29], $0x1000  }
0xa1: {  	[sflag:s29] =	ssyncset.done $0x0  }
0xa2: {  	[sflag:s29] =	ssyncadd.s32 $0xFFFFF000  }
0xa3: {  	_ =	swait.ge [sflag:s29], $0x1000  }
0xa4: {  	[sflag:s29] =	ssyncset.done $0x0  }
0xa5: {  	[sflag:s29] =	ssyncadd.s32 $0xFFFFF000  }
0xa6: {  	_ =	swait.ge [sflag:s29], $0x1000  }
0xa7: {  	[sflag:s29] =	ssyncset.done $0x0  }
0xa8: {  	[sflag:s29] =	ssyncadd.s32 $0xFFFFF000  }
0xa9: {  	_ =	swait.ge [sflag:s29], $0x1000  }
0xaa: {  	[sflag:s29] =	ssyncset.done $0x0  }
0xab: {  	[sflag:s29] =	ssyncadd.s32 $0xFFFFF000  }
0xac: {  	_ =	swait.ge [sflag:s29], $0x1000  }
0xad: {  	[sflag:s29] =	ssyncset.done $0x0  }
0xae: {  	[sflag:s29] =	ssyncadd.s32 $0xFFFFF000  }
0xaf: {  	_ =	swait.ge [sflag:s29], $0x1000  }
0xb0: {  	[sflag:s29] =	ssyncset.done $0x0  }
0xb1: {  	[sflag:s29] =	ssyncadd.s32 $0xFFFFF000  }
0xb2: {  	_ =	swait.ge [sflag:s29], $0x1000  }
0xb3: {  	[sflag:s29] =	ssyncset.done $0x0  }
0xb4: {  	[sflag:s29] =	ssyncadd.s32 $0xFFFFF000  }
0xb5: {  	_ =	swait.ge [sflag:s29], $0x1000  }
0xb6: {  	[sflag:s29] =	ssyncset.done $0x0  }
0xb7: {  	[sflag:s29] =	ssyncadd.s32 $0xFFFFF000  }
0xb8: {  	_ =	swait.ge [sflag:s29], $0x1000  }
0xb9: {  	[sflag:s29] =	ssyncset.done $0x0  }
0xba: {  	[sflag:s29] =	ssyncadd.s32 $0xFFFFF000  }
0xbb: {  	_ =	swait.ge [sflag:s29], $0x1000  }
0xbc: {  	[sflag:s29] =	ssyncset.done $0x0  }
0xbd: {  	s30 =	ssub.s32 $0x2, s30;
	[sflag:s29] =	ssyncadd.s32 $0xFFFFF000  }
0xbe: {  	s31 =	sshrl.u32 s30, $0x1;
	_ =	swait.ge [sflag:s29], $0x1000  }
0xbf: {  	s30 =	ssub.s32 s30, s31;
	[sflag:s29] =	ssyncset.done $0x0  }
0xc0: {  	s30 =	smax.u32 s30, $0x1;
	[sflag:s29] =	ssyncadd.s32 $0xFFFFF000  }
0xc1: {  	s30 =	sadd.s32 $0xFFFFFFFF, s30;
	_ =	swait.ge [sflag:s29], $0x1000  }
0xc2: {  	p1 =	sne.s32 s30, $0x0;
	[sflag:s29] =	ssyncset.done $0x0  }
.Ltmp0:
0xc3: {  	[sflag:s29] =	ssyncadd.s32 $0xFFFFF000;
	(pc) =	sbr.rel @!p1 .LBB2_2-.Ltmp0, $4  }
0xc4: {  	_ =	swait.ge [sflag:s29], $0x1000  }
0xc5: {  	[sflag:s29] =	ssyncset.done $0x0  }
0xc6: {  	[sflag:s29] =	ssyncadd.s32 $0xFFFFF000  }
0xc7: {  	_ =	swait.ge [sflag:s29], $0x1000  }
.LBB2_1:
0xc8: {  	[sflag:s29] =	ssyncset.done $0x0  }
0xc9: {  	[sflag:s29] =	ssyncadd.s32 $0xFFFFF000  }
0xca: {  	_ =	swait.ge [sflag:s29], $0x1000  }
0xcb: {  	s31 =	rddreg [dreg:$0x17]  }
0xcc: {  	[sflag:s29] =	ssyncset.done $0x0;
	s1 =	rddreg [dreg:$0x5]  }
0xcd: {  	s0 =	rddreg [dreg:$0x6];
	[sflag:s29] =	ssyncadd.s32 $0xFFFFF000  }
0xce: {  	[tilespmem:s5], [sflag:$0x1] =	stream.linear.gather [hbm4b:s1+s3], $0x200, $0x38;
	[tilespmem:$0x12140] =	vst v63  }
0xcf: {  	[spmem:s31], [sflag:s6] =	dma.local @p0 [hbm:s0], $0x380  }
0xd0: {  	_ =	swait.ge @p0 [sflag:s7], $0x380  }
0xd1: {  	[sflag:s7] =	ssyncset.done @p0 $0x0;
	s0 =	rddreg [dreg:$0x7]  }
0xd2: {  	s1 =	rddreg [dreg:$0x18];
	[sflag:s7] =	ssyncadd.s32 @p0 $0xFFFFFC80  }
0xd3: {  	[spmem:s1], [sflag:s8] =	dma.local @!p0 [hbm:s0], $0x400  }
0xd4: {  	_ =	swait.ge @!p0 [sflag:s9], $0x400  }
0xd5: {  	[sflag:s9] =	ssyncset.done @!p0 $0x0  }
0xd6: {  	[sflag:s9] =	ssyncadd.s32 @!p0 $0xFFFFFC00  }
0xd7: {  	_ =	swait.ge [sflag:s10], $0x200  }
0xd8: {  	[sflag:s10] =	ssyncset.done $0x0  }
0xd9: {  	[sflag:s10] =	ssyncadd.s32 $0xFFFFFE00  }
0xda: {  	[bflag:$0x0] =	sbarrier.arrive $0xFFFF  }
0xdb: {  	s31 =	rddreg [dreg:$0x19]  }
0xdc: {  	[tilespmem:s12], [sflag:$0x1] =	stream.indirect.gather [spmem:s2], $0x80, s5, s11, $0xb8;
	[tilespmem:$0x12140] =	vst v63  }
0xdd: {  	s1 =	rddreg [dreg:$0x1a]  }
0xde: {  	[tilespmem:s13], [sflag:$0x1] =	stream.indirect.gather [spmem:s2], $0x80, s31, s11, $0xb8;
	[tilespmem:$0x12140] =	vst v63  }
0xdf: {  	s31 =	rddreg [dreg:$0x1b]  }
0xe0: {  	[tilespmem:s14], [sflag:$0x1] =	stream.indirect.gather [spmem:s2], $0x80, s1, s11, $0xb8;
	[tilespmem:$0x12140] =	vst v63  }
0xe1: {  	s1 =	rddreg [dreg:$0x1c]  }
0xe2: {  	[tilespmem:s15], [sflag:$0x1] =	stream.indirect.gather [spmem:s2], $0x80, s31, s11, $0xb8;
	[tilespmem:$0x12140] =	vst v63  }
0xe3: {  	s31 =	rddreg [dreg:$0x1d]  }
0xe4: {  	[tilespmem:s16], [sflag:$0x1] =	stream.indirect.gather [spmem:s2], $0x80, s1, s11, $0xb8;
	[tilespmem:$0x12140] =	vst v63  }
0xe5: {  	s1 =	rddreg [dreg:$0x1e]  }
0xe6: {  	[tilespmem:s17], [sflag:$0x1] =	stream.indirect.gather [spmem:s2], $0x80, s31, s11, $0xb8;
	[tilespmem:$0x12140] =	vst v63  }
0xe7: {  	s31 =	rddreg [dreg:$0x1f]  }
0xe8: {  	[tilespmem:s18], [sflag:$0x1] =	stream.indirect.gather [spmem:s2], $0x80, s1, s11, $0xb8;
	[tilespmem:$0x12140] =	vst v63  }
0xe9: {  	s1 =	sld [smem:$0x7F6]  }
0xea: {  	[tilespmem:s19], [sflag:$0x1] =	stream.indirect.gather [spmem:s2], $0x80, s31, s11, $0xb8;
	[tilespmem:$0x12140] =	vst v63  }
0xeb: {  	s31 =	sld [smem:$0x7F7]  }
0xec: {  	[tilespmem:s20], [sflag:$0x1] =	stream.indirect.gather [spmem:s2], $0x80, s1, s11, $0xb8;
	[tilespmem:$0x12140] =	vst v63  }
0xed: {  	s1 =	sld [smem:$0x7F8]  }
0xee: {  	[tilespmem:s21], [sflag:$0x1] =	stream.indirect.gather [spmem:s2], $0x80, s31, s11, $0xb8;
	[tilespmem:$0x12140] =	vst v63  }
0xef: {  	s31 =	sld [smem:$0x7F9]  }
0xf0: {  	[tilespmem:s22], [sflag:$0x1] =	stream.indirect.gather [spmem:s2], $0x80, s1, s11, $0xb8;
	[tilespmem:$0x12140] =	vst v63  }
0xf1: {  	s1 =	sld [smem:$0x7FA]  }
0xf2: {  	[tilespmem:s23], [sflag:$0x1] =	stream.indirect.gather [spmem:s2], $0x80, s31, s11, $0xb8;
	[tilespmem:$0x12140] =	vst v63  }
0xf3: {  	s31 =	sld [smem:$0x7FB]  }
0xf4: {  	[tilespmem:s24], [sflag:$0x1] =	stream.indirect.gather [spmem:s2], $0x80, s1, s11, $0xb8;
	[tilespmem:$0x12140] =	vst v63  }
0xf5: {  	s1 =	sld [smem:$0x7FC]  }
0xf6: {  	[tilespmem:s25], [sflag:$0x1] =	stream.indirect.gather [spmem:s2], $0x80, s31, s11, $0xb8;
	[tilespmem:$0x12140] =	vst v63  }
0xf7: {  	s31 =	sld [smem:$0x7FD]  }
0xf8: {  	[tilespmem:s26], [sflag:$0x1] =	stream.indirect.gather [spmem:s2], $0x80, s1, s11, $0xb8;
	[tilespmem:$0x12140] =	vst v63  }
0xf9: {  	_ = 	snop  }
0xfa: {  	[tilespmem:s28], [sflag:$0x1] =	stream.indirect.gather [spmem:s2], $0x80, s31, s11, $0xb8;
	[tilespmem:$0x12140] =	vst v63  }
0xfb: {  	_ =	swait.ge [sflag:s10], $0x1000  }
0xfc: {  	[sflag:s10] =	ssyncset.done $0x0  }
0xfd: {  	[sflag:s10] =	ssyncadd.s32 $0xFFFFF000  }
0xfe: {  	[hbm4b:s4+s3] =	stream.linear.scatter [tilespmem:s12], [sflag:$0x2], $0x1000, $0x38;
	[tilespmem:$0x12140] =	vst v63  }
0xff: {  	_ =	swait.ge [sflag:s10], $0x1000  }
0x100: {  	[sflag:s10] =	ssyncset.done $0x0  }
0x101: {  	s31 =	rddreg [dreg:$0x8];
	[sflag:s10] =	ssyncadd.s32 $0xFFFFF000  }
0x102: {  	[hbm4b:s31+s3] =	stream.linear.scatter [tilespmem:s13], [sflag:$0x2], $0x1000, $0x38;
	[tilespmem:$0x12140] =	vst v63  }
0x103: {  	_ =	swait.ge [sflag:s10], $0x1000  }
0x104: {  	[sflag:s10] =	ssyncset.done $0x0  }
0x105: {  	s1 =	rddreg [dreg:$0x9];
	[sflag:s10] =	ssyncadd.s32 $0xFFFFF000  }
0x106: {  	[hbm4b:s1+s3] =	stream.linear.scatter [tilespmem:s14], [sflag:$0x2], $0x1000, $0x38;
	[tilespmem:$0x12140] =	vst v63  }
0x107: {  	_ =	swait.ge [sflag:s10], $0x1000  }
0x108: {  	[sflag:s10] =	ssyncset.done $0x0  }
0x109: {  	s31 =	rddreg [dreg:$0xa];
	[sflag:s10] =	ssyncadd.s32 $0xFFFFF000  }
0x10a: {  	[hbm4b:s31+s3] =	stream.linear.scatter [tilespmem:s15], [sflag:$0x2], $0x1000, $0x38;
	[tilespmem:$0x12140] =	vst v63  }
0x10b: {  	_ =	swait.ge [sflag:s10], $0x1000  }
0x10c: {  	[sflag:s10] =	ssyncset.done $0x0  }
0x10d: {  	s1 =	rddreg [dreg:$0xb];
	[sflag:s10] =	ssyncadd.s32 $0xFFFFF000  }
0x10e: {  	[hbm4b:s1+s3] =	stream.linear.scatter [tilespmem:s16], [sflag:$0x2], $0x1000, $0x38;
	[tilespmem:$0x12140] =	vst v63  }
0x10f: {  	_ =	swait.ge [sflag:s10], $0x1000  }
0x110: {  	[sflag:s10] =	ssyncset.done $0x0  }
0x111: {  	s31 =	rddreg [dreg:$0xc];
	[sflag:s10] =	ssyncadd.s32 $0xFFFFF000  }
0x112: {  	[hbm4b:s31+s3] =	stream.linear.scatter [tilespmem:s17], [sflag:$0x2], $0x1000, $0x38;
	[tilespmem:$0x12140] =	vst v63  }
0x113: {  	_ =	swait.ge [sflag:s10], $0x1000  }
0x114: {  	[sflag:s10] =	ssyncset.done $0x0  }
0x115: {  	s1 =	rddreg [dreg:$0xd];
	[sflag:s10] =	ssyncadd.s32 $0xFFFFF000  }
0x116: {  	[hbm4b:s1+s3] =	stream.linear.scatter [tilespmem:s18], [sflag:$0x2], $0x1000, $0x38;
	[tilespmem:$0x12140] =	vst v63  }
0x117: {  	_ =	swait.ge [sflag:s10], $0x1000  }
0x118: {  	[sflag:s10] =	ssyncset.done $0x0  }
0x119: {  	s31 =	rddreg [dreg:$0xe];
	[sflag:s10] =	ssyncadd.s32 $0xFFFFF000  }
0x11a: {  	[hbm4b:s31+s3] =	stream.linear.scatter [tilespmem:s19], [sflag:$0x2], $0x1000, $0x38;
	[tilespmem:$0x12140] =	vst v63  }
0x11b: {  	_ =	swait.ge [sflag:s10], $0x1000  }
0x11c: {  	[sflag:s10] =	ssyncset.done $0x0  }
0x11d: {  	s1 =	rddreg [dreg:$0xf];
	[sflag:s10] =	ssyncadd.s32 $0xFFFFF000  }
0x11e: {  	[hbm4b:s1+s3] =	stream.linear.scatter [tilespmem:s20], [sflag:$0x2], $0x1000, $0x38;
	[tilespmem:$0x12140] =	vst v63  }
0x11f: {  	_ =	swait.ge [sflag:s10], $0x1000  }
0x120: {  	[sflag:s10] =	ssyncset.done $0x0  }
0x121: {  	s31 =	rddreg [dreg:$0x10];
	[sflag:s10] =	ssyncadd.s32 $0xFFFFF000  }
0x122: {  	[hbm4b:s31+s3] =	stream.linear.scatter [tilespmem:s21], [sflag:$0x2], $0x1000, $0x38;
	[tilespmem:$0x12140] =	vst v63  }
0x123: {  	_ =	swait.ge [sflag:s10], $0x1000  }
0x124: {  	[sflag:s10] =	ssyncset.done $0x0  }
0x125: {  	s1 =	rddreg [dreg:$0x11];
	[sflag:s10] =	ssyncadd.s32 $0xFFFFF000  }
0x126: {  	[hbm4b:s1+s3] =	stream.linear.scatter [tilespmem:s22], [sflag:$0x2], $0x1000, $0x38;
	[tilespmem:$0x12140] =	vst v63  }
0x127: {  	_ =	swait.ge [sflag:s10], $0x1000  }
0x128: {  	[sflag:s10] =	ssyncset.done $0x0  }
0x129: {  	s31 =	rddreg [dreg:$0x12];
	[sflag:s10] =	ssyncadd.s32 $0xFFFFF000  }
0x12a: {  	[hbm4b:s31+s3] =	stream.linear.scatter [tilespmem:s23], [sflag:$0x2], $0x1000, $0x38;
	[tilespmem:$0x12140] =	vst v63  }
0x12b: {  	_ =	swait.ge [sflag:s10], $0x1000  }
0x12c: {  	[sflag:s10] =	ssyncset.done $0x0  }
0x12d: {  	s1 =	rddreg [dreg:$0x13];
	[sflag:s10] =	ssyncadd.s32 $0xFFFFF000  }
0x12e: {  	[hbm4b:s1+s3] =	stream.linear.scatter [tilespmem:s24], [sflag:$0x2], $0x1000, $0x38;
	[tilespmem:$0x12140] =	vst v63  }
0x12f: {  	_ =	swait.ge [sflag:s10], $0x1000  }
0x130: {  	[sflag:s10] =	ssyncset.done $0x0  }
0x131: {  	s31 =	rddreg [dreg:$0x14];
	[sflag:s10] =	ssyncadd.s32 $0xFFFFF000  }
0x132: {  	[hbm4b:s31+s3] =	stream.linear.scatter [tilespmem:s25], [sflag:$0x2], $0x1000, $0x38;
	[tilespmem:$0x12140] =	vst v63  }
0x133: {  	_ =	swait.ge [sflag:s10], $0x1000  }
0x134: {  	[sflag:s10] =	ssyncset.done $0x0  }
0x135: {  	s1 =	rddreg [dreg:$0x15];
	[sflag:s10] =	ssyncadd.s32 $0xFFFFF000  }
0x136: {  	[hbm4b:s1+s3] =	stream.linear.scatter [tilespmem:s26], [sflag:$0x2], $0x1000, $0x38;
	[tilespmem:$0x12140] =	vst v63  }
0x137: {  	_ =	swait.ge [sflag:s10], $0x1000  }
0x138: {  	[sflag:s10] =	ssyncset.done $0x0  }
0x139: {  	s31 =	rddreg [dreg:$0x16];
	[sflag:s10] =	ssyncadd.s32 $0xFFFFF000  }
0x13a: {  	[hbm4b:s31+s3] =	stream.linear.scatter [tilespmem:s28], [sflag:$0x2], $0x1000, $0x38;
	[tilespmem:$0x12140] =	vst v63  }
0x13b: {  	_ =	swait.ge [sflag:s29], $0x1000  }
0x13c: {  	[sflag:s29] =	ssyncset.done $0x0  }
0x13d: {  	[sflag:s29] =	ssyncadd.s32 $0xFFFFF000  }
0x13e: {  	_ =	swait.ge [sflag:s29], $0x1000  }
0x13f: {  	[sflag:s29] =	ssyncset.done $0x0  }
0x140: {  	[sflag:s29] =	ssyncadd.s32 $0xFFFFF000  }
0x141: {  	_ =	swait.ge [sflag:s29], $0x1000  }
0x142: {  	[sflag:s29] =	ssyncset.done $0x0  }
0x143: {  	[sflag:s29] =	ssyncadd.s32 $0xFFFFF000  }
0x144: {  	_ =	swait.ge [sflag:s29], $0x1000  }
0x145: {  	[sflag:s29] =	ssyncset.done $0x0  }
0x146: {  	[sflag:s29] =	ssyncadd.s32 $0xFFFFF000  }
0x147: {  	_ =	swait.ge [sflag:s29], $0x1000  }
0x148: {  	[sflag:s29] =	ssyncset.done $0x0  }
0x149: {  	[sflag:s29] =	ssyncadd.s32 $0xFFFFF000  }
0x14a: {  	_ =	swait.ge [sflag:s29], $0x1000  }
0x14b: {  	[sflag:s29] =	ssyncset.done $0x0  }
0x14c: {  	[sflag:s29] =	ssyncadd.s32 $0xFFFFF000  }
0x14d: {  	_ =	swait.ge [sflag:s29], $0x1000  }
0x14e: {  	[sflag:s29] =	ssyncset.done $0x0  }
0x14f: {  	[sflag:s29] =	ssyncadd.s32 $0xFFFFF000  }
0x150: {  	_ =	swait.ge [sflag:s29], $0x1000  }
0x151: {  	[sflag:s29] =	ssyncset.done $0x0  }
0x152: {  	[sflag:s29] =	ssyncadd.s32 $0xFFFFF000  }
0x153: {  	_ =	swait.ge [sflag:s29], $0x1000  }
0x154: {  	[sflag:s29] =	ssyncset.done $0x0  }
0x155: {  	[sflag:s29] =	ssyncadd.s32 $0xFFFFF000  }
0x156: {  	_ =	swait.ge [sflag:s29], $0x1000  }
0x157: {  	[sflag:s29] =	ssyncset.done $0x0  }
0x158: {  	[sflag:s29] =	ssyncadd.s32 $0xFFFFF000  }
0x159: {  	_ =	swait.ge [sflag:s29], $0x1000  }
0x15a: {  	[sflag:s29] =	ssyncset.done $0x0  }
0x15b: {  	[sflag:s29] =	ssyncadd.s32 $0xFFFFF000  }
0x15c: {  	_ =	swait.ge [sflag:s29], $0x1000  }
0x15d: {  	[sflag:s29] =	ssyncset.done $0x0  }
0x15e: {  	[sflag:s29] =	ssyncadd.s32 $0xFFFFF000  }
0x15f: {  	s30 =	sadd.s32 $0xFFFFFFFF, s30;
	_ =	swait.ge [sflag:s29], $0x1000  }
0x160: {  	p1 =	sne.s32 s30, $0x0;
	[sflag:s29] =	ssyncset.done $0x0  }
.Ltmp1:
0x161: {  	[sflag:s29] =	ssyncadd.s32 $0xFFFFF000;
	(pc) =	sbr.rel @p1 .LBB2_1-.Ltmp1, $4  }
0x162: {  	_ =	swait.ge [sflag:s29], $0x1000  }
0x163: {  	[sflag:s29] =	ssyncset.done $0x0  }
0x164: {  	[sflag:s29] =	ssyncadd.s32 $0xFFFFF000  }
0x165: {  	_ =	swait.ge [sflag:s29], $0x1000  }
.LBB2_2:
0x166: {  	[sflag:s29] =	ssyncset.done $0x0  }
0x167: {  	[sflag:s29] =	ssyncadd.s32 $0xFFFFF000  }
0x168: {  	_ =	swait.ge [sflag:s29], $0x1000  }
0x169: {  	[sflag:s29] =	ssyncset.done $0x0  }
0x16a: {  	[sflag:s29] =	ssyncadd.s32 $0xFFFFF000  }
0x16b: {  	_ =	sfence.sel $0x180000  }
0x16c: {  	[bflag:$0x0] =	sbarrier.arrive $0xFFFF  }
0x16d: {  	_ =	strace $0x90000047  }
0x16e: {  	s0 =	stileid.u32;
	[bflag:$0x2] =	sbarrier.arrive $0xFFFF  }
0x16f: {  	p0 =	sne.s32 s0, $0x0;
	s0 =	rddreg [dreg:$0x4]  }
0x170: {  	s0 =	sadd.s32 @!p0 $0x100000, s0  }
0x171: {  	[sflag:s0] =	ssyncadd.tile.s32 @!p0 $0x1;
	_ =	shalt  }
.Lfunc_end2:
_tile_overlayer_lowered:
.L_overlay_start_2:
0x172: {  	(tag) =	ssettag $0x2  }
0x173: {  	s0 =	rddreg [dreg:$0x0];
	s2 =	stileid.u32  }
0x174: {  	s1 =	rddreg [dreg:$0x1];
	p0 =	sne.s32 s2, $0x0  }
0x175: {  	s3 =	rddreg [dreg:$0x2];
	[bflag:$0x3] =	sbarrier.arrive $0xFFFF;
	s2 =	simm.s32 @!p0 $0x1C04  }
0x176: {  	[timem:s3], [sflag:s2] =	dma.local @!p0 [hbm:s0], s1  }
0x177: {  	s0 =	simm.s32 @!p0 $0x4  }
0x178: {  	_ =	swait.ge @!p0 [sflag:s0], s1  }
0x179: {  	s1 =	ssub.s32 @!p0 $0x0, s1;
	[sflag:s0] =	ssyncset.done @!p0 $0x0  }
0x17a: {  	[sflag:s0] =	ssyncadd.s32 @!p0 s1  }
0x17b: {  	[bflag:$0x3] =	sbarrier.arrive $0xFFFF  }
0x17c: {  	_ =	shalt  }

</sc_bundles>
